<compile_context>
chip_gen: v7x
topology: tpu7x:2x2x1
jax: 0.10.2.dev20260603
libtpu: 0.0.44.dev20260713+nightly
codegen_flags: <defaults>
</compile_context>

<pallas_src>
import functools

import jax
import jax.numpy as jnp
from jax import lax
from jax.experimental import pallas as pl
from jax.experimental.pallas import tpu as pltpu
from jax.experimental.pallas import tpu_sc as plsc

VPAD = 16
NC = 2
NS = 16
NW = NC * NS
CHUNK = 128


def _table_body(emb_ref, w2_ref, b2_ref, w31_ref, b31_ref, w32_ref, b32_ref,
                out_ref):
    e = emb_ref[...]
    e = jnp.concatenate(
        [e, jnp.zeros((VPAD - e.shape[0], e.shape[1]), e.dtype)], axis=0)
    t = e * jax.nn.sigmoid(e)
    h = jnp.dot(t, w2_ref[...], preferred_element_type=jnp.float32) + b2_ref[...]
    h = h * jax.nn.sigmoid(h)
    lat = w31_ref.shape[1]
    out_ref[:, :lat] = (
        jnp.dot(h, w31_ref[...], preferred_element_type=jnp.float32) + b31_ref[...]
    )
    out_ref[:, lat:] = (
        jnp.dot(h, w32_ref[...], preferred_element_type=jnp.float32) + b32_ref[...]
    )


def _make_gather(n_chunks, out_dim):
    mesh = plsc.VectorSubcoreMesh(core_axis_name="c", subcore_axis_name="s")
    b_per_w = n_chunks * CHUNK

    @functools.partial(
        pl.kernel,
        mesh=mesh,
        out_type=jax.ShapeDtypeStruct((NW, n_chunks, CHUNK, out_dim),
                                      jnp.float32),
        scratch_types=[
            pltpu.VMEM((b_per_w,), jnp.int32),
            pltpu.VMEM((n_chunks, CHUNK, out_dim), jnp.float32),
            pltpu.VMEM((VPAD, out_dim), jnp.float32),
            pltpu.VMEM_SHARED((VPAD, out_dim), jnp.float32),
            pltpu.SemaphoreType.DMA,
            pltpu.SemaphoreType.DMA,
        ],
    )
    def gather(table_hbm, idx_hbm, out_hbm, idx_v, rows_v, table_v, table_sh,
               gsem, wsem):
        sid = lax.axis_index("s")
        wid = sid * NC + lax.axis_index("c")
        @pl.when(sid == 0)
        def _stage():
            pltpu.sync_copy(table_hbm, table_v)
            pltpu.sync_copy(table_v, table_sh)

        pltpu.sync_copy(idx_hbm.at[pl.ds(wid * b_per_w, b_per_w)], idx_v)
        plsc.subcore_barrier()
        gathers = [
            pltpu.async_copy(table_sh.at[idx_v.at[pl.ds(j * CHUNK, CHUNK)]],
                             rows_v.at[j], gsem)
            for j in range(n_chunks)
        ]
        writes = []
        for j in range(n_chunks):
            gathers[j].wait()
            writes.append(
                pltpu.async_copy(rows_v.at[j], out_hbm.at[wid].at[j], wsem))
        for w in writes:
            w.wait()

    return gather


def kernel(x, emb, W2, b2, W31, b31, W32, b32):
    batch = x.shape[0]
    lat = W31.shape[1]
    out_dim = 2 * lat
    n_chunks = batch // (NW * CHUNK)

    table = pl.pallas_call(
        _table_body,
        out_shape=jax.ShapeDtypeStruct((VPAD, out_dim), jnp.float32),
    )(emb, W2, b2, W31, b31, W32, b32)

    out = _make_gather(n_chunks, out_dim)(table, x)
    return out.reshape(batch, out_dim)

# --- scband reference (transcript-rebuilt; emitter-appended) ---
"""Pipeline reference for scband-label-encoder-37572373905888 (READ-ONLY COPY).

The authoritative reference and input builder live on the scoring server;
editing this copy changes nothing except your own understanding.
"""

import jax, jax.numpy as jnp
import numpy as np

B = 16384
LATENT_DIM = 64
EMB_DIM = 512
VOCAB = 10


def swish(x):
    return x * jax.nn.sigmoid(x)


def setup_inputs(seed: int = 0) -> dict:
    key = jax.random.key(seed)
    ks = jax.random.split(key, 8)
    x = jax.random.randint(ks[0], (B,), 0, VOCAB, dtype=jnp.int32)
    emb = jax.random.normal(ks[1], (VOCAB, EMB_DIM), dtype=jnp.float32)
    W2 = jax.random.normal(ks[2], (EMB_DIM, EMB_DIM), dtype=jnp.float32) / np.sqrt(EMB_DIM)
    b2 = jnp.zeros((EMB_DIM,), dtype=jnp.float32)
    W31 = jax.random.normal(ks[3], (EMB_DIM, LATENT_DIM), dtype=jnp.float32) / np.sqrt(EMB_DIM)
    b31 = jnp.zeros((LATENT_DIM,), dtype=jnp.float32)
    W32 = jax.random.normal(ks[4], (EMB_DIM, LATENT_DIM), dtype=jnp.float32) / np.sqrt(EMB_DIM)
    b32 = jnp.zeros((LATENT_DIM,), dtype=jnp.float32)
    return {"x": x, "emb": emb, "W2": W2, "b2": b2, "W31": W31, "b31": b31, "W32": W32, "b32": b32}


def reference(x, emb, W2, b2, W31, b31, W32, b32):
    # fc1: embedding lookup (gather) followed by swish
    h = swish(jnp.take(emb, x, axis=0))
    # fc2: linear + swish
    h = swish(h @ W2 + b2)
    # fc31 / fc32: mean and log_std heads
    mean = h @ W31 + b31
    log_std = h @ W32 + b32
    return jnp.concatenate([mean, log_std], axis=-1)

if __name__ == "__main__":
    import jax
    _d = setup_inputs()
    print(jax.jit(kernel)(*tuple(_d.values())))

</pallas_src>

<mosaic_0001>
#map = affine_map<(d0, d1) -> (0, 0)>
#map1 = affine_map<(d0, d1) -> (0)>
#map2 = affine_map<(d0, d1) -> (0, 0, 0, 0)>
module attributes {stable_mosaic.version = 14 : i64} {
  func.func @gather(%arg0: i32, %arg1: i32, %arg2: memref<16x128xf32, #tpu.memory_space<hbm>>, %arg3: memref<16384xi32, #tpu.memory_space<hbm>>, %arg4: memref<32x4x128x128xf32, #tpu.memory_space<hbm>>, %arg5: memref<512xi32, #tpu.memory_space<vmem>>, %arg6: memref<4x128x128xf32, #tpu.memory_space<vmem>>, %arg7: memref<16x128xf32, #tpu.memory_space<vmem>>, %arg8: memref<16x128xf32, #tpu.memory_space<vmem_shared>>, %arg9: memref<!tpu.dma_semaphore, #tpu.memory_space<semaphore_mem>>, %arg10: memref<!tpu.dma_semaphore, #tpu.memory_space<semaphore_mem>>) attributes {dimension_semantics = [#tpu.dimension_semantics<core_parallel>, #tpu.dimension_semantics<subcore_parallel>], iteration_bounds = array<i64: 2, 16>, scalar_prefetch = 0 : i64, scratch_operands = 6 : i64, tpu.core_type = #tpu.core_type<sc_vector_subcore>, window_params = [{transform_indices = #map}, {transform_indices = #map1}, {transform_indices = #map2}]} {
    %mul3A = arith.constant 2 : i32
    %mul3A_0 = arith.muli %arg1, %mul3A : i32
    %add3A = arith.addi %mul3A_0, %arg0 : i32
    %eq3A = arith.constant 0 : i32
    %eq3A_1 = arith.cmpi eq, %arg1, %eq3A : i32
    %convert_element_type3A = arith.extui %eq3A_1 : i1 to i32
    %cond3A = arith.constant 0 : i32
    %cond3A_2 = arith.cmpi ne, %convert_element_type3A, %cond3A : i32
    scf.if %cond3A_2 {
      "tpu.region"() ({
        %run_scoped3A = tpu.sem_alloc : memref<!tpu.dma_semaphore, #tpu.memory_space<semaphore_mem>>
        tpu.enqueue_dma source(%arg2 : memref<16x128xf32, #tpu.memory_space<hbm>>) target(%arg7 : memref<16x128xf32, #tpu.memory_space<vmem>>) target_semaphore(%run_scoped3A : memref<!tpu.dma_semaphore, #tpu.memory_space<semaphore_mem>>)
        tpu.wait_dma2 semaphore(%run_scoped3A : memref<!tpu.dma_semaphore, #tpu.memory_space<semaphore_mem>>) src(%arg2 : memref<16x128xf32, #tpu.memory_space<hbm>>) dst(%arg7 : memref<16x128xf32, #tpu.memory_space<vmem>>)
        tpu.yield
      }) : () -> ()
      "tpu.region"() ({
        %run_scoped3A = tpu.sem_alloc : memref<!tpu.dma_semaphore, #tpu.memory_space<semaphore_mem>>
        tpu.enqueue_dma source(%arg7 : memref<16x128xf32, #tpu.memory_space<vmem>>) target(%arg8 : memref<16x128xf32, #tpu.memory_space<vmem_shared>>) target_semaphore(%run_scoped3A : memref<!tpu.dma_semaphore, #tpu.memory_space<semaphore_mem>>)
        tpu.wait_dma2 semaphore(%run_scoped3A : memref<!tpu.dma_semaphore, #tpu.memory_space<semaphore_mem>>) src(%arg7 : memref<16x128xf32, #tpu.memory_space<vmem>>) dst(%arg8 : memref<16x128xf32, #tpu.memory_space<vmem_shared>>)
        tpu.yield
      }) : () -> ()
    } else {
    }
    %mul3A_3 = arith.constant 512 : i32
    %mul3A_4 = arith.muli %add3A, %mul3A_3 : i32
    "tpu.region"() ({
      %run_scoped3A = tpu.sem_alloc : memref<!tpu.dma_semaphore, #tpu.memory_space<semaphore_mem>>
      %dma_start3A_307 = tpu.memref_slice %arg3[%mul3A_4] : memref<16384xi32, #tpu.memory_space<hbm>> -> memref<512xi32, #tpu.memory_space<hbm>>
      %dma_start3A_308 = tpu.memref_slice %arg3[%mul3A_4] : memref<16384xi32, #tpu.memory_space<hbm>> -> memref<512xi32, #tpu.memory_space<hbm>>
      tpu.enqueue_dma source(%dma_start3A_308 : memref<512xi32, #tpu.memory_space<hbm>>) target(%arg5 : memref<512xi32, #tpu.memory_space<vmem>>) target_semaphore(%run_scoped3A : memref<!tpu.dma_semaphore, #tpu.memory_space<semaphore_mem>>)
      %dma_wait3A_309 = tpu.memref_slice %arg3[%mul3A_4] : memref<16384xi32, #tpu.memory_space<hbm>> -> memref<512xi32, #tpu.memory_space<hbm>>
      %dma_wait3A_310 = tpu.memref_slice %arg3[%mul3A_4] : memref<16384xi32, #tpu.memory_space<hbm>> -> memref<512xi32, #tpu.memory_space<hbm>>
      tpu.wait_dma2 semaphore(%run_scoped3A : memref<!tpu.dma_semaphore, #tpu.memory_space<semaphore_mem>>) src(%dma_wait3A_310 : memref<512xi32, #tpu.memory_space<hbm>>) dst(%arg5 : memref<512xi32, #tpu.memory_space<vmem>>)
      tpu.yield
    }) : () -> ()
    %barrier3A = arith.constant 0 : index
    tpu.barrier barrier_id(%barrier3A)
    %dma_start3A = arith.constant 0 : i32
    %dma_start3A_5 = arith.constant 0 : i32
    %dma_start3A_6 = arith.constant 0 : i32
    %dma_start3A_7 = tpu.memref_slice %arg6[%dma_start3A, %dma_start3A_5, %dma_start3A_6] : memref<4x128x128xf32, #tpu.memory_space<vmem>> -> memref<1x128x128xf32, #tpu.memory_space<vmem>>
    %dma_start3A_8 = tpu.memref_squeeze %dma_start3A_7 : memref<1x128x128xf32, #tpu.memory_space<vmem>> -> memref<128x128xf32, #tpu.memory_space<vmem>>
    %dma_start3A_9 = arith.constant 0 : i32
    %dma_start3A_10 = tpu.memref_slice %arg5[%dma_start3A_9] : memref<512xi32, #tpu.memory_space<vmem>> -> memref<128xi32, #tpu.memory_space<vmem>>
    %dma_start3A_11 = arith.constant 0 : i32
    %dma_start3A_12 = arith.constant 0 : i32
    %dma_start3A_13 = tpu.memref_slice %arg8[%dma_start3A_11, %dma_start3A_12] : memref<16x128xf32, #tpu.memory_space<vmem_shared>> -> memref<16x128xf32, #tpu.memory_space<vmem_shared>>
    tpu.enqueue_indirect_dma source(%dma_start3A_13 : memref<16x128xf32, #tpu.memory_space<vmem_shared>>) target(%dma_start3A_8 : memref<128x128xf32, #tpu.memory_space<vmem>>) offsets(%dma_start3A_10 : memref<128xi32, #tpu.memory_space<vmem>>) semaphore(%arg9 : memref<!tpu.dma_semaphore, #tpu.memory_space<semaphore_mem>>)
    %dma_start3A_14 = arith.constant 1 : i32
    %dma_start3A_15 = arith.constant 0 : i32
    %dma_start3A_16 = arith.constant 0 : i32
    %dma_start3A_17 = tpu.memref_slice %arg6[%dma_start3A_14, %dma_start3A_15, %dma_start3A_16] : memref<4x128x128xf32, #tpu.memory_space<vmem>> -> memref<1x128x128xf32, #tpu.memory_space<vmem>>
    %dma_start3A_18 = tpu.memref_squeeze %dma_start3A_17 : memref<1x128x128xf32, #tpu.memory_space<vmem>> -> memref<128x128xf32, #tpu.memory_space<vmem>>
    %dma_start3A_19 = arith.constant 128 : i32
    %dma_start3A_20 = tpu.memref_slice %arg5[%dma_start3A_19] : memref<512xi32, #tpu.memory_space<vmem>> -> memref<128xi32, #tpu.memory_space<vmem>>
    %dma_start3A_21 = arith.constant 0 : i32
    %dma_start3A_22 = arith.constant 0 : i32
    %dma_start3A_23 = tpu.memref_slice %arg8[%dma_start3A_21, %dma_start3A_22] : memref<16x128xf32, #tpu.memory_space<vmem_shared>> -> memref<16x128xf32, #tpu.memory_space<vmem_shared>>
    tpu.enqueue_indirect_dma source(%dma_start3A_23 : memref<16x128xf32, #tpu.memory_space<vmem_shared>>) target(%dma_start3A_18 : memref<128x128xf32, #tpu.memory_space<vmem>>) offsets(%dma_start3A_20 : memref<128xi32, #tpu.memory_space<vmem>>) semaphore(%arg9 : memref<!tpu.dma_semaphore, #tpu.memory_space<semaphore_mem>>)
    %dma_start3A_24 = arith.constant 2 : i32
    %dma_start3A_25 = arith.constant 0 : i32
    %dma_start3A_26 = arith.constant 0 : i32
    %dma_start3A_27 = tpu.memref_slice %arg6[%dma_start3A_24, %dma_start3A_25, %dma_start3A_26] : memref<4x128x128xf32, #tpu.memory_space<vmem>> -> memref<1x128x128xf32, #tpu.memory_space<vmem>>
    %dma_start3A_28 = tpu.memref_squeeze %dma_start3A_27 : memref<1x128x128xf32, #tpu.memory_space<vmem>> -> memref<128x128xf32, #tpu.memory_space<vmem>>
    %dma_start3A_29 = arith.constant 256 : i32
    %dma_start3A_30 = tpu.memref_slice %arg5[%dma_start3A_29] : memref<512xi32, #tpu.memory_space<vmem>> -> memref<128xi32, #tpu.memory_space<vmem>>
    %dma_start3A_31 = arith.constant 0 : i32
    %dma_start3A_32 = arith.constant 0 : i32
    %dma_start3A_33 = tpu.memref_slice %arg8[%dma_start3A_31, %dma_start3A_32] : memref<16x128xf32, #tpu.memory_space<vmem_shared>> -> memref<16x128xf32, #tpu.memory_space<vmem_shared>>
    tpu.enqueue_indirect_dma source(%dma_start3A_33 : memref<16x128xf32, #tpu.memory_space<vmem_shared>>) target(%dma_start3A_28 : memref<128x128xf32, #tpu.memory_space<vmem>>) offsets(%dma_start3A_30 : memref<128xi32, #tpu.memory_space<vmem>>) semaphore(%arg9 : memref<!tpu.dma_semaphore, #tpu.memory_space<semaphore_mem>>)
    %dma_start3A_34 = arith.constant 3 : i32
    %dma_start3A_35 = arith.constant 0 : i32
    %dma_start3A_36 = arith.constant 0 : i32
    %dma_start3A_37 = tpu.memref_slice %arg6[%dma_start3A_34, %dma_start3A_35, %dma_start3A_36] : memref<4x128x128xf32, #tpu.memory_space<vmem>> -> memref<1x128x128xf32, #tpu.memory_space<vmem>>
    %dma_start3A_38 = tpu.memref_squeeze %dma_start3A_37 : memref<1x128x128xf32, #tpu.memory_space<vmem>> -> memref<128x128xf32, #tpu.memory_space<vmem>>
    %dma_start3A_39 = arith.constant 384 : i32
    %dma_start3A_40 = tpu.memref_slice %arg5[%dma_start3A_39] : memref<512xi32, #tpu.memory_space<vmem>> -> memref<128xi32, #tpu.memory_space<vmem>>
    %dma_start3A_41 = arith.constant 0 : i32
    %dma_start3A_42 = arith.constant 0 : i32
    %dma_start3A_43 = tpu.memref_slice %arg8[%dma_start3A_41, %dma_start3A_42] : memref<16x128xf32, #tpu.memory_space<vmem_shared>> -> memref<16x128xf32, #tpu.memory_space<vmem_shared>>
    tpu.enqueue_indirect_dma source(%dma_start3A_43 : memref<16x128xf32, #tpu.memory_space<vmem_shared>>) target(%dma_start3A_38 : memref<128x128xf32, #tpu.memory_space<vmem>>) offsets(%dma_start3A_40 : memref<128xi32, #tpu.memory_space<vmem>>) semaphore(%arg9 : memref<!tpu.dma_semaphore, #tpu.memory_space<semaphore_mem>>)
    %dma_wait3A = arith.constant 0 : i32
    %dma_wait3A_44 = arith.constant 0 : i32
    %dma_wait3A_45 = arith.constant 0 : i32
    %dma_wait3A_46 = tpu.memref_slice %arg6[%dma_wait3A, %dma_wait3A_44, %dma_wait3A_45] : memref<4x128x128xf32, #tpu.memory_space<vmem>> -> memref<1x128x128xf32, #tpu.memory_space<vmem>>
    %dma_wait3A_47 = tpu.memref_squeeze %dma_wait3A_46 : memref<1x128x128xf32, #tpu.memory_space<vmem>> -> memref<128x128xf32, #tpu.memory_space<vmem>>
    %dma_wait3A_48 = arith.constant 0 : i32
    %dma_wait3A_49 = tpu.memref_slice %arg5[%dma_wait3A_48] : memref<512xi32, #tpu.memory_space<vmem>> -> memref<128xi32, #tpu.memory_space<vmem>>
    %dma_wait3A_50 = arith.constant 0 : i32
    %dma_wait3A_51 = arith.constant 0 : i32
    %dma_wait3A_52 = tpu.memref_slice %arg8[%dma_wait3A_50, %dma_wait3A_51] : memref<16x128xf32, #tpu.memory_space<vmem_shared>> -> memref<16x128xf32, #tpu.memory_space<vmem_shared>>
    tpu.wait_indirect_dma semaphore(%arg9 : memref<!tpu.dma_semaphore, #tpu.memory_space<semaphore_mem>>) src(%dma_wait3A_52 : memref<16x128xf32, #tpu.memory_space<vmem_shared>>) dst(%dma_wait3A_47 : memref<128x128xf32, #tpu.memory_space<vmem>>)
    %dma_start3A_53 = arith.constant 0 : i32
    %dma_start3A_54 = arith.constant 0 : i32
    %dma_start3A_55 = arith.constant 0 : i32
    %dma_start3A_56 = arith.constant 0 : i32
    %dma_start3A_57 = tpu.memref_slice %arg6[%dma_start3A_53, %dma_start3A_55, %dma_start3A_56] : memref<4x128x128xf32, #tpu.memory_space<vmem>> -> memref<1x128x128xf32, #tpu.memory_space<vmem>>
    %dma_start3A_58 = tpu.memref_squeeze %dma_start3A_57 : memref<1x128x128xf32, #tpu.memory_space<vmem>> -> memref<128x128xf32, #tpu.memory_space<vmem>>
    %dma_start3A_59 = arith.constant 0 : i32
    %dma_start3A_60 = arith.constant 0 : i32
    %dma_start3A_61 = arith.constant 0 : i32
    %dma_start3A_62 = tpu.memref_slice %arg4[%add3A, %dma_start3A_59, %dma_start3A_60, %dma_start3A_61] : memref<32x4x128x128xf32, #tpu.memory_space<hbm>> -> memref<1x4x128x128xf32, #tpu.memory_space<hbm>>
    %dma_start3A_63 = tpu.memref_squeeze %dma_start3A_62 : memref<1x4x128x128xf32, #tpu.memory_space<hbm>> -> memref<4x128x128xf32, #tpu.memory_space<hbm>>
    %dma_start3A_64 = arith.constant 0 : i32
    %dma_start3A_65 = arith.constant 0 : i32
    %dma_start3A_66 = tpu.memref_slice %dma_start3A_63[%dma_start3A_54, %dma_start3A_64, %dma_start3A_65] : memref<4x128x128xf32, #tpu.memory_space<hbm>> -> memref<1x128x128xf32, #tpu.memory_space<hbm>>
    %dma_start3A_67 = tpu.memref_squeeze %dma_start3A_66 : memref<1x128x128xf32, #tpu.memory_space<hbm>> -> memref<128x128xf32, #tpu.memory_space<hbm>>
    %dma_start3A_68 = arith.constant 0 : i32
    %dma_start3A_69 = arith.constant 0 : i32
    %dma_start3A_70 = arith.constant 0 : i32
    %dma_start3A_71 = tpu.memref_slice %arg4[%add3A, %dma_start3A_68, %dma_start3A_69, %dma_start3A_70] : memref<32x4x128x128xf32, #tpu.memory_space<hbm>> -> memref<1x4x128x128xf32, #tpu.memory_space<hbm>>
    %dma_start3A_72 = tpu.memref_squeeze %dma_start3A_71 : memref<1x4x128x128xf32, #tpu.memory_space<hbm>> -> memref<4x128x128xf32, #tpu.memory_space<hbm>>
    %dma_start3A_73 = arith.constant 0 : i32
    %dma_start3A_74 = arith.constant 0 : i32
    %dma_start3A_75 = tpu.memref_slice %dma_start3A_72[%dma_start3A_54, %dma_start3A_73, %dma_start3A_74] : memref<4x128x128xf32, #tpu.memory_space<hbm>> -> memref<1x128x128xf32, #tpu.memory_space<hbm>>
    %dma_start3A_76 = tpu.memref_squeeze %dma_start3A_75 : memref<1x128x128xf32, #tpu.memory_space<hbm>> -> memref<128x128xf32, #tpu.memory_space<hbm>>
    %dma_start3A_77 = arith.constant 0 : i32
    %dma_start3A_78 = arith.constant 0 : i32
    %dma_start3A_79 = tpu.memref_slice %arg6[%dma_start3A_53, %dma_start3A_77, %dma_start3A_78] : memref<4x128x128xf32, #tpu.memory_space<vmem>> -> memref<1x128x128xf32, #tpu.memory_space<vmem>>
    %dma_start3A_80 = tpu.memref_squeeze %dma_start3A_79 : memref<1x128x128xf32, #tpu.memory_space<vmem>> -> memref<128x128xf32, #tpu.memory_space<vmem>>
    tpu.enqueue_dma source(%dma_start3A_80 : memref<128x128xf32, #tpu.memory_space<vmem>>) target(%dma_start3A_76 : memref<128x128xf32, #tpu.memory_space<hbm>>) target_semaphore(%arg10 : memref<!tpu.dma_semaphore, #tpu.memory_space<semaphore_mem>>)
    %dma_wait3A_81 = arith.constant 1 : i32
    %dma_wait3A_82 = arith.constant 0 : i32
    %dma_wait3A_83 = arith.constant 0 : i32
    %dma_wait3A_84 = tpu.memref_slice %arg6[%dma_wait3A_81, %dma_wait3A_82, %dma_wait3A_83] : memref<4x128x128xf32, #tpu.memory_space<vmem>> -> memref<1x128x128xf32, #tpu.memory_space<vmem>>
    %dma_wait3A_85 = tpu.memref_squeeze %dma_wait3A_84 : memref<1x128x128xf32, #tpu.memory_space<vmem>> -> memref<128x128xf32, #tpu.memory_space<vmem>>
    %dma_wait3A_86 = arith.constant 128 : i32
    %dma_wait3A_87 = tpu.memref_slice %arg5[%dma_wait3A_86] : memref<512xi32, #tpu.memory_space<vmem>> -> memref<128xi32, #tpu.memory_space<vmem>>
    %dma_wait3A_88 = arith.constant 0 : i32
    %dma_wait3A_89 = arith.constant 0 : i32
    %dma_wait3A_90 = tpu.memref_slice %arg8[%dma_wait3A_88, %dma_wait3A_89] : memref<16x128xf32, #tpu.memory_space<vmem_shared>> -> memref<16x128xf32, #tpu.memory_space<vmem_shared>>
    tpu.wait_indirect_dma semaphore(%arg9 : memref<!tpu.dma_semaphore, #tpu.memory_space<semaphore_mem>>) src(%dma_wait3A_90 : memref<16x128xf32, #tpu.memory_space<vmem_shared>>) dst(%dma_wait3A_85 : memref<128x128xf32, #tpu.memory_space<vmem>>)
    %dma_start3A_91 = arith.constant 1 : i32
    %dma_start3A_92 = arith.constant 1 : i32
    %dma_start3A_93 = arith.constant 0 : i32
    %dma_start3A_94 = arith.constant 0 : i32
    %dma_start3A_95 = tpu.memref_slice %arg6[%dma_start3A_91, %dma_start3A_93, %dma_start3A_94] : memref<4x128x128xf32, #tpu.memory_space<vmem>> -> memref<1x128x128xf32, #tpu.memory_space<vmem>>
    %dma_start3A_96 = tpu.memref_squeeze %dma_start3A_95 : memref<1x128x128xf32, #tpu.memory_space<vmem>> -> memref<128x128xf32, #tpu.memory_space<vmem>>
    %dma_start3A_97 = arith.constant 0 : i32
    %dma_start3A_98 = arith.constant 0 : i32
    %dma_start3A_99 = arith.constant 0 : i32
    %dma_start3A_100 = tpu.memref_slice %arg4[%add3A, %dma_start3A_97, %dma_start3A_98, %dma_start3A_99] : memref<32x4x128x128xf32, #tpu.memory_space<hbm>> -> memref<1x4x128x128xf32, #tpu.memory_space<hbm>>
    %dma_start3A_101 = tpu.memref_squeeze %dma_start3A_100 : memref<1x4x128x128xf32, #tpu.memory_space<hbm>> -> memref<4x128x128xf32, #tpu.memory_space<hbm>>
    %dma_start3A_102 = arith.constant 0 : i32
    %dma_start3A_103 = arith.constant 0 : i32
    %dma_start3A_104 = tpu.memref_slice %dma_start3A_101[%dma_start3A_92, %dma_start3A_102, %dma_start3A_103] : memref<4x128x128xf32, #tpu.memory_space<hbm>> -> memref<1x128x128xf32, #tpu.memory_space<hbm>>
    %dma_start3A_105 = tpu.memref_squeeze %dma_start3A_104 : memref<1x128x128xf32, #tpu.memory_space<hbm>> -> memref<128x128xf32, #tpu.memory_space<hbm>>
    %dma_start3A_106 = arith.constant 0 : i32
    %dma_start3A_107 = arith.constant 0 : i32
    %dma_start3A_108 = arith.constant 0 : i32
    %dma_start3A_109 = tpu.memref_slice %arg4[%add3A, %dma_start3A_106, %dma_start3A_107, %dma_start3A_108] : memref<32x4x128x128xf32, #tpu.memory_space<hbm>> -> memref<1x4x128x128xf32, #tpu.memory_space<hbm>>
    %dma_start3A_110 = tpu.memref_squeeze %dma_start3A_109 : memref<1x4x128x128xf32, #tpu.memory_space<hbm>> -> memref<4x128x128xf32, #tpu.memory_space<hbm>>
    %dma_start3A_111 = arith.constant 0 : i32
    %dma_start3A_112 = arith.constant 0 : i32
    %dma_start3A_113 = tpu.memref_slice %dma_start3A_110[%dma_start3A_92, %dma_start3A_111, %dma_start3A_112] : memref<4x128x128xf32, #tpu.memory_space<hbm>> -> memref<1x128x128xf32, #tpu.memory_space<hbm>>
    %dma_start3A_114 = tpu.memref_squeeze %dma_start3A_113 : memref<1x128x128xf32, #tpu.memory_space<hbm>> -> memref<128x128xf32, #tpu.memory_space<hbm>>
    %dma_start3A_115 = arith.constant 0 : i32
    %dma_start3A_116 = arith.constant 0 : i32
    %dma_start3A_117 = tpu.memref_slice %arg6[%dma_start3A_91, %dma_start3A_115, %dma_start3A_116] : memref<4x128x128xf32, #tpu.memory_space<vmem>> -> memref<1x128x128xf32, #tpu.memory_space<vmem>>
    %dma_start3A_118 = tpu.memref_squeeze %dma_start3A_117 : memref<1x128x128xf32, #tpu.memory_space<vmem>> -> memref<128x128xf32, #tpu.memory_space<vmem>>
    tpu.enqueue_dma source(%dma_start3A_118 : memref<128x128xf32, #tpu.memory_space<vmem>>) target(%dma_start3A_114 : memref<128x128xf32, #tpu.memory_space<hbm>>) target_semaphore(%arg10 : memref<!tpu.dma_semaphore, #tpu.memory_space<semaphore_mem>>)
    %dma_wait3A_119 = arith.constant 2 : i32
    %dma_wait3A_120 = arith.constant 0 : i32
    %dma_wait3A_121 = arith.constant 0 : i32
    %dma_wait3A_122 = tpu.memref_slice %arg6[%dma_wait3A_119, %dma_wait3A_120, %dma_wait3A_121] : memref<4x128x128xf32, #tpu.memory_space<vmem>> -> memref<1x128x128xf32, #tpu.memory_space<vmem>>
    %dma_wait3A_123 = tpu.memref_squeeze %dma_wait3A_122 : memref<1x128x128xf32, #tpu.memory_space<vmem>> -> memref<128x128xf32, #tpu.memory_space<vmem>>
    %dma_wait3A_124 = arith.constant 256 : i32
    %dma_wait3A_125 = tpu.memref_slice %arg5[%dma_wait3A_124] : memref<512xi32, #tpu.memory_space<vmem>> -> memref<128xi32, #tpu.memory_space<vmem>>
    %dma_wait3A_126 = arith.constant 0 : i32
    %dma_wait3A_127 = arith.constant 0 : i32
    %dma_wait3A_128 = tpu.memref_slice %arg8[%dma_wait3A_126, %dma_wait3A_127] : memref<16x128xf32, #tpu.memory_space<vmem_shared>> -> memref<16x128xf32, #tpu.memory_space<vmem_shared>>
    tpu.wait_indirect_dma semaphore(%arg9 : memref<!tpu.dma_semaphore, #tpu.memory_space<semaphore_mem>>) src(%dma_wait3A_128 : memref<16x128xf32, #tpu.memory_space<vmem_shared>>) dst(%dma_wait3A_123 : memref<128x128xf32, #tpu.memory_space<vmem>>)
    %dma_start3A_129 = arith.constant 2 : i32
    %dma_start3A_130 = arith.constant 2 : i32
    %dma_start3A_131 = arith.constant 0 : i32
    %dma_start3A_132 = arith.constant 0 : i32
    %dma_start3A_133 = tpu.memref_slice %arg6[%dma_start3A_129, %dma_start3A_131, %dma_start3A_132] : memref<4x128x128xf32, #tpu.memory_space<vmem>> -> memref<1x128x128xf32, #tpu.memory_space<vmem>>
    %dma_start3A_134 = tpu.memref_squeeze %dma_start3A_133 : memref<1x128x128xf32, #tpu.memory_space<vmem>> -> memref<128x128xf32, #tpu.memory_space<vmem>>
    %dma_start3A_135 = arith.constant 0 : i32
    %dma_start3A_136 = arith.constant 0 : i32
    %dma_start3A_137 = arith.constant 0 : i32
    %dma_start3A_138 = tpu.memref_slice %arg4[%add3A, %dma_start3A_135, %dma_start3A_136, %dma_start3A_137] : memref<32x4x128x128xf32, #tpu.memory_space<hbm>> -> memref<1x4x128x128xf32, #tpu.memory_space<hbm>>
    %dma_start3A_139 = tpu.memref_squeeze %dma_start3A_138 : memref<1x4x128x128xf32, #tpu.memory_space<hbm>> -> memref<4x128x128xf32, #tpu.memory_space<hbm>>
    %dma_start3A_140 = arith.constant 0 : i32
    %dma_start3A_141 = arith.constant 0 : i32
    %dma_start3A_142 = tpu.memref_slice %dma_start3A_139[%dma_start3A_130, %dma_start3A_140, %dma_start3A_141] : memref<4x128x128xf32, #tpu.memory_space<hbm>> -> memref<1x128x128xf32, #tpu.memory_space<hbm>>
    %dma_start3A_143 = tpu.memref_squeeze %dma_start3A_142 : memref<1x128x128xf32, #tpu.memory_space<hbm>> -> memref<128x128xf32, #tpu.memory_space<hbm>>
    %dma_start3A_144 = arith.constant 0 : i32
    %dma_start3A_145 = arith.constant 0 : i32
    %dma_start3A_146 = arith.constant 0 : i32
    %dma_start3A_147 = tpu.memref_slice %arg4[%add3A, %dma_start3A_144, %dma_start3A_145, %dma_start3A_146] : memref<32x4x128x128xf32, #tpu.memory_space<hbm>> -> memref<1x4x128x128xf32, #tpu.memory_space<hbm>>
    %dma_start3A_148 = tpu.memref_squeeze %dma_start3A_147 : memref<1x4x128x128xf32, #tpu.memory_space<hbm>> -> memref<4x128x128xf32, #tpu.memory_space<hbm>>
    %dma_start3A_149 = arith.constant 0 : i32
    %dma_start3A_150 = arith.constant 0 : i32
    %dma_start3A_151 = tpu.memref_slice %dma_start3A_148[%dma_start3A_130, %dma_start3A_149, %dma_start3A_150] : memref<4x128x128xf32, #tpu.memory_space<hbm>> -> memref<1x128x128xf32, #tpu.memory_space<hbm>>
    %dma_start3A_152 = tpu.memref_squeeze %dma_start3A_151 : memref<1x128x128xf32, #tpu.memory_space<hbm>> -> memref<128x128xf32, #tpu.memory_space<hbm>>
    %dma_start3A_153 = arith.constant 0 : i32
    %dma_start3A_154 = arith.constant 0 : i32
    %dma_start3A_155 = tpu.memref_slice %arg6[%dma_start3A_129, %dma_start3A_153, %dma_start3A_154] : memref<4x128x128xf32, #tpu.memory_space<vmem>> -> memref<1x128x128xf32, #tpu.memory_space<vmem>>
    %dma_start3A_156 = tpu.memref_squeeze %dma_start3A_155 : memref<1x128x128xf32, #tpu.memory_space<vmem>> -> memref<128x128xf32, #tpu.memory_space<vmem>>
    tpu.enqueue_dma source(%dma_start3A_156 : memref<128x128xf32, #tpu.memory_space<vmem>>) target(%dma_start3A_152 : memref<128x128xf32, #tpu.memory_space<hbm>>) target_semaphore(%arg10 : memref<!tpu.dma_semaphore, #tpu.memory_space<semaphore_mem>>)
    %dma_wait3A_157 = arith.constant 3 : i32
    %dma_wait3A_158 = arith.constant 0 : i32
    %dma_wait3A_159 = arith.constant 0 : i32
    %dma_wait3A_160 = tpu.memref_slice %arg6[%dma_wait3A_157, %dma_wait3A_158, %dma_wait3A_159] : memref<4x128x128xf32, #tpu.memory_space<vmem>> -> memref<1x128x128xf32, #tpu.memory_space<vmem>>
    %dma_wait3A_161 = tpu.memref_squeeze %dma_wait3A_160 : memref<1x128x128xf32, #tpu.memory_space<vmem>> -> memref<128x128xf32, #tpu.memory_space<vmem>>
    %dma_wait3A_162 = arith.constant 384 : i32
    %dma_wait3A_163 = tpu.memref_slice %arg5[%dma_wait3A_162] : memref<512xi32, #tpu.memory_space<vmem>> -> memref<128xi32, #tpu.memory_space<vmem>>
    %dma_wait3A_164 = arith.constant 0 : i32
    %dma_wait3A_165 = arith.constant 0 : i32
    %dma_wait3A_166 = tpu.memref_slice %arg8[%dma_wait3A_164, %dma_wait3A_165] : memref<16x128xf32, #tpu.memory_space<vmem_shared>> -> memref<16x128xf32, #tpu.memory_space<vmem_shared>>
    tpu.wait_indirect_dma semaphore(%arg9 : memref<!tpu.dma_semaphore, #tpu.memory_space<semaphore_mem>>) src(%dma_wait3A_166 : memref<16x128xf32, #tpu.memory_space<vmem_shared>>) dst(%dma_wait3A_161 : memref<128x128xf32, #tpu.memory_space<vmem>>)
    %dma_start3A_167 = arith.constant 3 : i32
    %dma_start3A_168 = arith.constant 3 : i32
    %dma_start3A_169 = arith.constant 0 : i32
    %dma_start3A_170 = arith.constant 0 : i32
    %dma_start3A_171 = tpu.memref_slice %arg6[%dma_start3A_167, %dma_start3A_169, %dma_start3A_170] : memref<4x128x128xf32, #tpu.memory_space<vmem>> -> memref<1x128x128xf32, #tpu.memory_space<vmem>>
    %dma_start3A_172 = tpu.memref_squeeze %dma_start3A_171 : memref<1x128x128xf32, #tpu.memory_space<vmem>> -> memref<128x128xf32, #tpu.memory_space<vmem>>
    %dma_start3A_173 = arith.constant 0 : i32
    %dma_start3A_174 = arith.constant 0 : i32
    %dma_start3A_175 = arith.constant 0 : i32
    %dma_start3A_176 = tpu.memref_slice %arg4[%add3A, %dma_start3A_173, %dma_start3A_174, %dma_start3A_175] : memref<32x4x128x128xf32, #tpu.memory_space<hbm>> -> memref<1x4x128x128xf32, #tpu.memory_space<hbm>>
    %dma_start3A_177 = tpu.memref_squeeze %dma_start3A_176 : memref<1x4x128x128xf32, #tpu.memory_space<hbm>> -> memref<4x128x128xf32, #tpu.memory_space<hbm>>
    %dma_start3A_178 = arith.constant 0 : i32
    %dma_start3A_179 = arith.constant 0 : i32
    %dma_start3A_180 = tpu.memref_slice %dma_start3A_177[%dma_start3A_168, %dma_start3A_178, %dma_start3A_179] : memref<4x128x128xf32, #tpu.memory_space<hbm>> -> memref<1x128x128xf32, #tpu.memory_space<hbm>>
    %dma_start3A_181 = tpu.memref_squeeze %dma_start3A_180 : memref<1x128x128xf32, #tpu.memory_space<hbm>> -> memref<128x128xf32, #tpu.memory_space<hbm>>
    %dma_start3A_182 = arith.constant 0 : i32
    %dma_start3A_183 = arith.constant 0 : i32
    %dma_start3A_184 = arith.constant 0 : i32
    %dma_start3A_185 = tpu.memref_slice %arg4[%add3A, %dma_start3A_182, %dma_start3A_183, %dma_start3A_184] : memref<32x4x128x128xf32, #tpu.memory_space<hbm>> -> memref<1x4x128x128xf32, #tpu.memory_space<hbm>>
    %dma_start3A_186 = tpu.memref_squeeze %dma_start3A_185 : memref<1x4x128x128xf32, #tpu.memory_space<hbm>> -> memref<4x128x128xf32, #tpu.memory_space<hbm>>
    %dma_start3A_187 = arith.constant 0 : i32
    %dma_start3A_188 = arith.constant 0 : i32
    %dma_start3A_189 = tpu.memref_slice %dma_start3A_186[%dma_start3A_168, %dma_start3A_187, %dma_start3A_188] : memref<4x128x128xf32, #tpu.memory_space<hbm>> -> memref<1x128x128xf32, #tpu.memory_space<hbm>>
    %dma_start3A_190 = tpu.memref_squeeze %dma_start3A_189 : memref<1x128x128xf32, #tpu.memory_space<hbm>> -> memref<128x128xf32, #tpu.memory_space<hbm>>
    %dma_start3A_191 = arith.constant 0 : i32
    %dma_start3A_192 = arith.constant 0 : i32
    %dma_start3A_193 = tpu.memref_slice %arg6[%dma_start3A_167, %dma_start3A_191, %dma_start3A_192] : memref<4x128x128xf32, #tpu.memory_space<vmem>> -> memref<1x128x128xf32, #tpu.memory_space<vmem>>
    %dma_start3A_194 = tpu.memref_squeeze %dma_start3A_193 : memref<1x128x128xf32, #tpu.memory_space<vmem>> -> memref<128x128xf32, #tpu.memory_space<vmem>>
    tpu.enqueue_dma source(%dma_start3A_194 : memref<128x128xf32, #tpu.memory_space<vmem>>) target(%dma_start3A_190 : memref<128x128xf32, #tpu.memory_space<hbm>>) target_semaphore(%arg10 : memref<!tpu.dma_semaphore, #tpu.memory_space<semaphore_mem>>)
    %dma_wait3A_195 = arith.constant 0 : i32
    %dma_wait3A_196 = arith.constant 0 : i32
    %dma_wait3A_197 = arith.constant 0 : i32
    %dma_wait3A_198 = arith.constant 0 : i32
    %dma_wait3A_199 = tpu.memref_slice %arg6[%dma_wait3A_195, %dma_wait3A_197, %dma_wait3A_198] : memref<4x128x128xf32, #tpu.memory_space<vmem>> -> memref<1x128x128xf32, #tpu.memory_space<vmem>>
    %dma_wait3A_200 = tpu.memref_squeeze %dma_wait3A_199 : memref<1x128x128xf32, #tpu.memory_space<vmem>> -> memref<128x128xf32, #tpu.memory_space<vmem>>
    %dma_wait3A_201 = arith.constant 0 : i32
    %dma_wait3A_202 = arith.constant 0 : i32
    %dma_wait3A_203 = arith.constant 0 : i32
    %dma_wait3A_204 = tpu.memref_slice %arg4[%add3A, %dma_wait3A_201, %dma_wait3A_202, %dma_wait3A_203] : memref<32x4x128x128xf32, #tpu.memory_space<hbm>> -> memref<1x4x128x128xf32, #tpu.memory_space<hbm>>
    %dma_wait3A_205 = tpu.memref_squeeze %dma_wait3A_204 : memref<1x4x128x128xf32, #tpu.memory_space<hbm>> -> memref<4x128x128xf32, #tpu.memory_space<hbm>>
    %dma_wait3A_206 = arith.constant 0 : i32
    %dma_wait3A_207 = arith.constant 0 : i32
    %dma_wait3A_208 = tpu.memref_slice %dma_wait3A_205[%dma_wait3A_196, %dma_wait3A_206, %dma_wait3A_207] : memref<4x128x128xf32, #tpu.memory_space<hbm>> -> memref<1x128x128xf32, #tpu.memory_space<hbm>>
    %dma_wait3A_209 = tpu.memref_squeeze %dma_wait3A_208 : memref<1x128x128xf32, #tpu.memory_space<hbm>> -> memref<128x128xf32, #tpu.memory_space<hbm>>
    %dma_wait3A_210 = arith.constant 0 : i32
    %dma_wait3A_211 = arith.constant 0 : i32
    %dma_wait3A_212 = arith.constant 0 : i32
    %dma_wait3A_213 = tpu.memref_slice %arg4[%add3A, %dma_wait3A_210, %dma_wait3A_211, %dma_wait3A_212] : memref<32x4x128x128xf32, #tpu.memory_space<hbm>> -> memref<1x4x128x128xf32, #tpu.memory_space<hbm>>
    %dma_wait3A_214 = tpu.memref_squeeze %dma_wait3A_213 : memref<1x4x128x128xf32, #tpu.memory_space<hbm>> -> memref<4x128x128xf32, #tpu.memory_space<hbm>>
    %dma_wait3A_215 = arith.constant 0 : i32
    %dma_wait3A_216 = arith.constant 0 : i32
    %dma_wait3A_217 = tpu.memref_slice %dma_wait3A_214[%dma_wait3A_196, %dma_wait3A_215, %dma_wait3A_216] : memref<4x128x128xf32, #tpu.memory_space<hbm>> -> memref<1x128x128xf32, #tpu.memory_space<hbm>>
    %dma_wait3A_218 = tpu.memref_squeeze %dma_wait3A_217 : memref<1x128x128xf32, #tpu.memory_space<hbm>> -> memref<128x128xf32, #tpu.memory_space<hbm>>
    %dma_wait3A_219 = arith.constant 0 : i32
    %dma_wait3A_220 = arith.constant 0 : i32
    %dma_wait3A_221 = tpu.memref_slice %arg6[%dma_wait3A_195, %dma_wait3A_219, %dma_wait3A_220] : memref<4x128x128xf32, #tpu.memory_space<vmem>> -> memref<1x128x128xf32, #tpu.memory_space<vmem>>
    %dma_wait3A_222 = tpu.memref_squeeze %dma_wait3A_221 : memref<1x128x128xf32, #tpu.memory_space<vmem>> -> memref<128x128xf32, #tpu.memory_space<vmem>>
    tpu.wait_dma2 semaphore(%arg10 : memref<!tpu.dma_semaphore, #tpu.memory_space<semaphore_mem>>) src(%dma_wait3A_222 : memref<128x128xf32, #tpu.memory_space<vmem>>) dst(%dma_wait3A_218 : memref<128x128xf32, #tpu.memory_space<hbm>>)
    %dma_wait3A_223 = arith.constant 1 : i32
    %dma_wait3A_224 = arith.constant 1 : i32
    %dma_wait3A_225 = arith.constant 0 : i32
    %dma_wait3A_226 = arith.constant 0 : i32
    %dma_wait3A_227 = tpu.memref_slice %arg6[%dma_wait3A_223, %dma_wait3A_225, %dma_wait3A_226] : memref<4x128x128xf32, #tpu.memory_space<vmem>> -> memref<1x128x128xf32, #tpu.memory_space<vmem>>
    %dma_wait3A_228 = tpu.memref_squeeze %dma_wait3A_227 : memref<1x128x128xf32, #tpu.memory_space<vmem>> -> memref<128x128xf32, #tpu.memory_space<vmem>>
    %dma_wait3A_229 = arith.constant 0 : i32
    %dma_wait3A_230 = arith.constant 0 : i32
    %dma_wait3A_231 = arith.constant 0 : i32
    %dma_wait3A_232 = tpu.memref_slice %arg4[%add3A, %dma_wait3A_229, %dma_wait3A_230, %dma_wait3A_231] : memref<32x4x128x128xf32, #tpu.memory_space<hbm>> -> memref<1x4x128x128xf32, #tpu.memory_space<hbm>>
    %dma_wait3A_233 = tpu.memref_squeeze %dma_wait3A_232 : memref<1x4x128x128xf32, #tpu.memory_space<hbm>> -> memref<4x128x128xf32, #tpu.memory_space<hbm>>
    %dma_wait3A_234 = arith.constant 0 : i32
    %dma_wait3A_235 = arith.constant 0 : i32
    %dma_wait3A_236 = tpu.memref_slice %dma_wait3A_233[%dma_wait3A_224, %dma_wait3A_234, %dma_wait3A_235] : memref<4x128x128xf32, #tpu.memory_space<hbm>> -> memref<1x128x128xf32, #tpu.memory_space<hbm>>
    %dma_wait3A_237 = tpu.memref_squeeze %dma_wait3A_236 : memref<1x128x128xf32, #tpu.memory_space<hbm>> -> memref<128x128xf32, #tpu.memory_space<hbm>>
    %dma_wait3A_238 = arith.constant 0 : i32
    %dma_wait3A_239 = arith.constant 0 : i32
    %dma_wait3A_240 = arith.constant 0 : i32
    %dma_wait3A_241 = tpu.memref_slice %arg4[%add3A, %dma_wait3A_238, %dma_wait3A_239, %dma_wait3A_240] : memref<32x4x128x128xf32, #tpu.memory_space<hbm>> -> memref<1x4x128x128xf32, #tpu.memory_space<hbm>>
    %dma_wait3A_242 = tpu.memref_squeeze %dma_wait3A_241 : memref<1x4x128x128xf32, #tpu.memory_space<hbm>> -> memref<4x128x128xf32, #tpu.memory_space<hbm>>
    %dma_wait3A_243 = arith.constant 0 : i32
    %dma_wait3A_244 = arith.constant 0 : i32
    %dma_wait3A_245 = tpu.memref_slice %dma_wait3A_242[%dma_wait3A_224, %dma_wait3A_243, %dma_wait3A_244] : memref<4x128x128xf32, #tpu.memory_space<hbm>> -> memref<1x128x128xf32, #tpu.memory_space<hbm>>
    %dma_wait3A_246 = tpu.memref_squeeze %dma_wait3A_245 : memref<1x128x128xf32, #tpu.memory_space<hbm>> -> memref<128x128xf32, #tpu.memory_space<hbm>>
    %dma_wait3A_247 = arith.constant 0 : i32
    %dma_wait3A_248 = arith.constant 0 : i32
    %dma_wait3A_249 = tpu.memref_slice %arg6[%dma_wait3A_223, %dma_wait3A_247, %dma_wait3A_248] : memref<4x128x128xf32, #tpu.memory_space<vmem>> -> memref<1x128x128xf32, #tpu.memory_space<vmem>>
    %dma_wait3A_250 = tpu.memref_squeeze %dma_wait3A_249 : memref<1x128x128xf32, #tpu.memory_space<vmem>> -> memref<128x128xf32, #tpu.memory_space<vmem>>
    tpu.wait_dma2 semaphore(%arg10 : memref<!tpu.dma_semaphore, #tpu.memory_space<semaphore_mem>>) src(%dma_wait3A_250 : memref<128x128xf32, #tpu.memory_space<vmem>>) dst(%dma_wait3A_246 : memref<128x128xf32, #tpu.memory_space<hbm>>)
    %dma_wait3A_251 = arith.constant 2 : i32
    %dma_wait3A_252 = arith.constant 2 : i32
    %dma_wait3A_253 = arith.constant 0 : i32
    %dma_wait3A_254 = arith.constant 0 : i32
    %dma_wait3A_255 = tpu.memref_slice %arg6[%dma_wait3A_251, %dma_wait3A_253, %dma_wait3A_254] : memref<4x128x128xf32, #tpu.memory_space<vmem>> -> memref<1x128x128xf32, #tpu.memory_space<vmem>>
    %dma_wait3A_256 = tpu.memref_squeeze %dma_wait3A_255 : memref<1x128x128xf32, #tpu.memory_space<vmem>> -> memref<128x128xf32, #tpu.memory_space<vmem>>
    %dma_wait3A_257 = arith.constant 0 : i32
    %dma_wait3A_258 = arith.constant 0 : i32
    %dma_wait3A_259 = arith.constant 0 : i32
    %dma_wait3A_260 = tpu.memref_slice %arg4[%add3A, %dma_wait3A_257, %dma_wait3A_258, %dma_wait3A_259] : memref<32x4x128x128xf32, #tpu.memory_space<hbm>> -> memref<1x4x128x128xf32, #tpu.memory_space<hbm>>
    %dma_wait3A_261 = tpu.memref_squeeze %dma_wait3A_260 : memref<1x4x128x128xf32, #tpu.memory_space<hbm>> -> memref<4x128x128xf32, #tpu.memory_space<hbm>>
    %dma_wait3A_262 = arith.constant 0 : i32
    %dma_wait3A_263 = arith.constant 0 : i32
    %dma_wait3A_264 = tpu.memref_slice %dma_wait3A_261[%dma_wait3A_252, %dma_wait3A_262, %dma_wait3A_263] : memref<4x128x128xf32, #tpu.memory_space<hbm>> -> memref<1x128x128xf32, #tpu.memory_space<hbm>>
    %dma_wait3A_265 = tpu.memref_squeeze %dma_wait3A_264 : memref<1x128x128xf32, #tpu.memory_space<hbm>> -> memref<128x128xf32, #tpu.memory_space<hbm>>
    %dma_wait3A_266 = arith.constant 0 : i32
    %dma_wait3A_267 = arith.constant 0 : i32
    %dma_wait3A_268 = arith.constant 0 : i32
    %dma_wait3A_269 = tpu.memref_slice %arg4[%add3A, %dma_wait3A_266, %dma_wait3A_267, %dma_wait3A_268] : memref<32x4x128x128xf32, #tpu.memory_space<hbm>> -> memref<1x4x128x128xf32, #tpu.memory_space<hbm>>
    %dma_wait3A_270 = tpu.memref_squeeze %dma_wait3A_269 : memref<1x4x128x128xf32, #tpu.memory_space<hbm>> -> memref<4x128x128xf32, #tpu.memory_space<hbm>>
    %dma_wait3A_271 = arith.constant 0 : i32
    %dma_wait3A_272 = arith.constant 0 : i32
    %dma_wait3A_273 = tpu.memref_slice %dma_wait3A_270[%dma_wait3A_252, %dma_wait3A_271, %dma_wait3A_272] : memref<4x128x128xf32, #tpu.memory_space<hbm>> -> memref<1x128x128xf32, #tpu.memory_space<hbm>>
    %dma_wait3A_274 = tpu.memref_squeeze %dma_wait3A_273 : memref<1x128x128xf32, #tpu.memory_space<hbm>> -> memref<128x128xf32, #tpu.memory_space<hbm>>
    %dma_wait3A_275 = arith.constant 0 : i32
    %dma_wait3A_276 = arith.constant 0 : i32
    %dma_wait3A_277 = tpu.memref_slice %arg6[%dma_wait3A_251, %dma_wait3A_275, %dma_wait3A_276] : memref<4x128x128xf32, #tpu.memory_space<vmem>> -> memref<1x128x128xf32, #tpu.memory_space<vmem>>
    %dma_wait3A_278 = tpu.memref_squeeze %dma_wait3A_277 : memref<1x128x128xf32, #tpu.memory_space<vmem>> -> memref<128x128xf32, #tpu.memory_space<vmem>>
    tpu.wait_dma2 semaphore(%arg10 : memref<!tpu.dma_semaphore, #tpu.memory_space<semaphore_mem>>) src(%dma_wait3A_278 : memref<128x128xf32, #tpu.memory_space<vmem>>) dst(%dma_wait3A_274 : memref<128x128xf32, #tpu.memory_space<hbm>>)
    %dma_wait3A_279 = arith.constant 3 : i32
    %dma_wait3A_280 = arith.constant 3 : i32
    %dma_wait3A_281 = arith.constant 0 : i32
    %dma_wait3A_282 = arith.constant 0 : i32
    %dma_wait3A_283 = tpu.memref_slice %arg6[%dma_wait3A_279, %dma_wait3A_281, %dma_wait3A_282] : memref<4x128x128xf32, #tpu.memory_space<vmem>> -> memref<1x128x128xf32, #tpu.memory_space<vmem>>
    %dma_wait3A_284 = tpu.memref_squeeze %dma_wait3A_283 : memref<1x128x128xf32, #tpu.memory_space<vmem>> -> memref<128x128xf32, #tpu.memory_space<vmem>>
    %dma_wait3A_285 = arith.constant 0 : i32
    %dma_wait3A_286 = arith.constant 0 : i32
    %dma_wait3A_287 = arith.constant 0 : i32
    %dma_wait3A_288 = tpu.memref_slice %arg4[%add3A, %dma_wait3A_285, %dma_wait3A_286, %dma_wait3A_287] : memref<32x4x128x128xf32, #tpu.memory_space<hbm>> -> memref<1x4x128x128xf32, #tpu.memory_space<hbm>>
    %dma_wait3A_289 = tpu.memref_squeeze %dma_wait3A_288 : memref<1x4x128x128xf32, #tpu.memory_space<hbm>> -> memref<4x128x128xf32, #tpu.memory_space<hbm>>
    %dma_wait3A_290 = arith.constant 0 : i32
    %dma_wait3A_291 = arith.constant 0 : i32
    %dma_wait3A_292 = tpu.memref_slice %dma_wait3A_289[%dma_wait3A_280, %dma_wait3A_290, %dma_wait3A_291] : memref<4x128x128xf32, #tpu.memory_space<hbm>> -> memref<1x128x128xf32, #tpu.memory_space<hbm>>
    %dma_wait3A_293 = tpu.memref_squeeze %dma_wait3A_292 : memref<1x128x128xf32, #tpu.memory_space<hbm>> -> memref<128x128xf32, #tpu.memory_space<hbm>>
    %dma_wait3A_294 = arith.constant 0 : i32
    %dma_wait3A_295 = arith.constant 0 : i32
    %dma_wait3A_296 = arith.constant 0 : i32
    %dma_wait3A_297 = tpu.memref_slice %arg4[%add3A, %dma_wait3A_294, %dma_wait3A_295, %dma_wait3A_296] : memref<32x4x128x128xf32, #tpu.memory_space<hbm>> -> memref<1x4x128x128xf32, #tpu.memory_space<hbm>>
    %dma_wait3A_298 = tpu.memref_squeeze %dma_wait3A_297 : memref<1x4x128x128xf32, #tpu.memory_space<hbm>> -> memref<4x128x128xf32, #tpu.memory_space<hbm>>
    %dma_wait3A_299 = arith.constant 0 : i32
    %dma_wait3A_300 = arith.constant 0 : i32
    %dma_wait3A_301 = tpu.memref_slice %dma_wait3A_298[%dma_wait3A_280, %dma_wait3A_299, %dma_wait3A_300] : memref<4x128x128xf32, #tpu.memory_space<hbm>> -> memref<1x128x128xf32, #tpu.memory_space<hbm>>
    %dma_wait3A_302 = tpu.memref_squeeze %dma_wait3A_301 : memref<1x128x128xf32, #tpu.memory_space<hbm>> -> memref<128x128xf32, #tpu.memory_space<hbm>>
    %dma_wait3A_303 = arith.constant 0 : i32
    %dma_wait3A_304 = arith.constant 0 : i32
    %dma_wait3A_305 = tpu.memref_slice %arg6[%dma_wait3A_279, %dma_wait3A_303, %dma_wait3A_304] : memref<4x128x128xf32, #tpu.memory_space<vmem>> -> memref<1x128x128xf32, #tpu.memory_space<vmem>>
    %dma_wait3A_306 = tpu.memref_squeeze %dma_wait3A_305 : memref<1x128x128xf32, #tpu.memory_space<vmem>> -> memref<128x128xf32, #tpu.memory_space<vmem>>
    tpu.wait_dma2 semaphore(%arg10 : memref<!tpu.dma_semaphore, #tpu.memory_space<semaphore_mem>>) src(%dma_wait3A_306 : memref<128x128xf32, #tpu.memory_space<vmem>>) dst(%dma_wait3A_302 : memref<128x128xf32, #tpu.memory_space<hbm>>)
    return
  }
}

module attributes {stable_mosaic.version = 14 : i64} {
  func.func @_table_body(%arg0: memref<10x512xf32, #tpu.memory_space<vmem>>, %arg1: memref<512x512xf32, #tpu.memory_space<vmem>>, %arg2: memref<512xf32, #tpu.memory_space<vmem>>, %arg3: memref<512x64xf32, #tpu.memory_space<vmem>>, %arg4: memref<64xf32, #tpu.memory_space<vmem>>, %arg5: memref<512x64xf32, #tpu.memory_space<vmem>>, %arg6: memref<64xf32, #tpu.memory_space<vmem>>, %arg7: memref<16x128xf32, #tpu.memory_space<vmem>>) attributes {dimension_semantics = [], scalar_prefetch = 0 : i64, scratch_operands = 0 : i64, tpu.core_type = #tpu.core_type<tc>} {
    %get3A = arith.constant 0 : index
    %get3A_0 = arith.constant 0 : index
    %get3A_1 = vector.load %arg0[%get3A, %get3A_0] : memref<10x512xf32, #tpu.memory_space<vmem>>, vector<10x512xf32>
    %broadcast_in_dim3A = arith.constant 0.000000e+00 : f32
    %broadcast_in_dim3A_2 = vector.broadcast %broadcast_in_dim3A : f32 to vector<6x512xf32>
    %concatenate3A = tpu.concatenate %get3A_1, %broadcast_in_dim3A_2 in 0 : vector<10x512xf32>, vector<6x512xf32> -> vector<16x512xf32>
    %logistic3A = arith.negf %concatenate3A : vector<16x512xf32>
    %logistic3A_3 = math.exp %logistic3A : vector<16x512xf32>
    %logistic3A_4 = arith.constant 1.000000e+00 : f32
    %logistic3A_5 = vector.broadcast %logistic3A_4 : f32 to vector<16x512xf32>
    %logistic3A_6 = arith.addf %logistic3A_5, %logistic3A_3 : vector<16x512xf32>
    %logistic3A_7 = arith.divf %logistic3A_5, %logistic3A_6 : vector<16x512xf32>
    %mul3A = arith.mulf %concatenate3A, %logistic3A_7 : vector<16x512xf32>
    %get3A_8 = arith.constant 0 : index
    %get3A_9 = arith.constant 0 : index
    %get3A_10 = vector.load %arg1[%get3A_8, %get3A_9] : memref<512x512xf32, #tpu.memory_space<vmem>>, vector<512x512xf32>
    %dot_general3A = arith.constant dense<0.000000e+00> : vector<16x512xf32>
    %dot_general3A_11 = tpu.matmul %mul3A, %get3A_10, %dot_general3A {dimension_numbers = #tpu.dot_dimension_numbers<[1], [0], [0], [1], [0, 0, 1, 1], [], []>, transpose_lhs_hint = false} : vector<16x512xf32>, vector<512x512xf32>, vector<16x512xf32> -> vector<16x512xf32>
    %get3A_12 = arith.constant 0 : index
    %get3A_13 = vector.load %arg2[%get3A_12] : memref<512xf32, #tpu.memory_space<vmem>>, vector<512xf32>
    %broadcast_in_dim3A_14 = vector.shape_cast %get3A_13 : vector<512xf32> to vector<1x512xf32>
    %add3A = vector.broadcast %broadcast_in_dim3A_14 : vector<1x512xf32> to vector<16x512xf32>
    %add3A_15 = arith.addf %dot_general3A_11, %add3A : vector<16x512xf32>
    %logistic3A_16 = arith.negf %add3A_15 : vector<16x512xf32>
    %logistic3A_17 = math.exp %logistic3A_16 : vector<16x512xf32>
    %logistic3A_18 = arith.constant 1.000000e+00 : f32
    %logistic3A_19 = vector.broadcast %logistic3A_18 : f32 to vector<16x512xf32>
    %logistic3A_20 = arith.addf %logistic3A_19, %logistic3A_17 : vector<16x512xf32>
    %logistic3A_21 = arith.divf %logistic3A_19, %logistic3A_20 : vector<16x512xf32>
    %mul3A_22 = arith.mulf %add3A_15, %logistic3A_21 : vector<16x512xf32>
    %get3A_23 = arith.constant 0 : index
    %get3A_24 = arith.constant 0 : index
    %get3A_25 = vector.load %arg3[%get3A_23, %get3A_24] : memref<512x64xf32, #tpu.memory_space<vmem>>, vector<512x64xf32>
    %dot_general3A_26 = arith.constant dense<0.000000e+00> : vector<16x64xf32>
    %dot_general3A_27 = tpu.matmul %mul3A_22, %get3A_25, %dot_general3A_26 {dimension_numbers = #tpu.dot_dimension_numbers<[1], [0], [0], [1], [0, 0, 1, 1], [], []>, transpose_lhs_hint = false} : vector<16x512xf32>, vector<512x64xf32>, vector<16x64xf32> -> vector<16x64xf32>
    %get3A_28 = arith.constant 0 : index
    %get3A_29 = vector.load %arg4[%get3A_28] : memref<64xf32, #tpu.memory_space<vmem>>, vector<64xf32>
    %broadcast_in_dim3A_30 = vector.shape_cast %get3A_29 : vector<64xf32> to vector<1x64xf32>
    %add3A_31 = vector.broadcast %broadcast_in_dim3A_30 : vector<1x64xf32> to vector<16x64xf32>
    %add3A_32 = arith.addf %dot_general3A_27, %add3A_31 : vector<16x64xf32>
    %swap3A = arith.constant 0 : index
    %swap3A_33 = arith.constant 0 : index
    %swap3A_34 = vector.load %arg7[%swap3A, %swap3A_33] : memref<16x128xf32, #tpu.memory_space<vmem>>, vector<16x64xf32>
    tpu.vector_store %arg7[%swap3A, %swap3A_33], %add3A_32 {strides = array<i32>} : memref<16x128xf32, #tpu.memory_space<vmem>>, vector<16x64xf32>,
    %get3A_35 = arith.constant 0 : index
    %get3A_36 = arith.constant 0 : index
    %get3A_37 = vector.load %arg5[%get3A_35, %get3A_36] : memref<512x64xf32, #tpu.memory_space<vmem>>, vector<512x64xf32>
    %dot_general3A_38 = arith.constant dense<0.000000e+00> : vector<16x64xf32>
    %dot_general3A_39 = tpu.matmul %mul3A_22, %get3A_37, %dot_general3A_38 {dimension_numbers = #tpu.dot_dimension_numbers<[1], [0], [0], [1], [0, 0, 1, 1], [], []>, transpose_lhs_hint = false} : vector<16x512xf32>, vector<512x64xf32>, vector<16x64xf32> -> vector<16x64xf32>
    %get3A_40 = arith.constant 0 : index
    %get3A_41 = vector.load %arg6[%get3A_40] : memref<64xf32, #tpu.memory_space<vmem>>, vector<64xf32>
    %broadcast_in_dim3A_42 = vector.shape_cast %get3A_41 : vector<64xf32> to vector<1x64xf32>
    %add3A_43 = vector.broadcast %broadcast_in_dim3A_42 : vector<1x64xf32> to vector<16x64xf32>
    %add3A_44 = arith.addf %dot_general3A_39, %add3A_43 : vector<16x64xf32>
    %swap3A_45 = arith.constant 0 : index
    %swap3A_46 = arith.constant 64 : index
    %swap3A_47 = vector.load %arg7[%swap3A_45, %swap3A_46] : memref<16x128xf32, #tpu.memory_space<vmem>>, vector<16x64xf32>
    tpu.vector_store %arg7[%swap3A_45, %swap3A_46], %add3A_44 {strides = array<i32>} : memref<16x128xf32, #tpu.memory_space<vmem>>, vector<16x64xf32>,
    return
  }
}

</mosaic_0001>

<sc_bundles>
// kernel: kernel.4.cloned.1.call-start
scs
__scs_entry_jumppad:
0x0: {  	(pc) =	sbr.rel $0x88, $3  }
0x1: {  	(tag) =	ssettag $0x0;
	lr =	simm.s32 $0x1  }
0x2: {  	[smem:$0x3F99] =	sst lr;
	_ =	strace $0xD0000000  }
0x3: {  	_ = 	snop  }
0x4: {  	_ = 	snop  }
0x5: {  	_ = 	snop  }
0x6: {  	_ = 	snop  }
0x7: {  	_ = 	snop  }
__scs_overlays_trampoline_lowered:
0x8: {  	[smem:$0x3FA8] =	sst s0  }
0x9: {  	[smem:$0x3FA9] =	sst s1  }
0xa: {  	[smem:$0x3FAA] =	sst s2  }
0xb: {  	[smem:$0x3FAB] =	sst s3  }
0xc: {  	[smem:$0x3FAC] =	sst s4  }
0xd: {  	[smem:$0x3FAD] =	sst s5  }
0xe: {  	[smem:$0x3FAE] =	sst s6  }
0xf: {  	[smem:$0x3FAF] =	sst s7  }
0x10: {  	[smem:$0x3FB0] =	sst s8  }
0x11: {  	[smem:$0x3FB1] =	sst s9;
	s0 =	simm.s32 @!p0 $0x0  }
0x12: {  	s1 =	sld [smem:$0x3F97];
	s0 =	simm.s32 @p0 $0x1  }
0x13: {  	[smem:$0x3FB2] =	sst s0;
	s0 =	simm.s32 @!p1 $0x0  }
0x14: {  	s2 =	sld [smem:$0x3F96];
	s0 =	simm.s32 @p1 $0x1  }
0x15: {  	[smem:$0x3FB3] =	sst s0;
	s0 =	simm.s32 @!p2 $0x0  }
0x16: {  	s3 =	sld [smem:$0x3FDB];
	s0 =	simm.s32 @p2 $0x1  }
0x17: {  	s4 =	simm.s32 $0x1BF5;
	[smem:$0x3FB5] =	sst s0  }
0x18: {  	s0 =	sld [smem:$0x3F98];
	_ =	swait.ge [sflag:s4], $0x0  }
0x19: {  	s7 =	sld [smem:$0x3F99]  }
0x1a: {  	s8 =	sadd.s32 $0xFFFFE003, lr  }
0x1b: {  	s9 =	sadd.s32 $0xFFFFFEF7, lr;
	s5 =	simm.s32 $0xFFFFFFFF;
	p2 =	slt.u32 s8, $0xFFFFF086  }
0x1c: {  	p1 =	slt.u32 s9, $0xF7A;
	s5 =	simm.s32 @!p2 $0x0  }
0x1d: {  	s5 =	simm.s32 @p1 $0x1;
	p0 =	seq.s32 s7, s2  }
0x1e: {  	s7 =	smul.u32 @!p0 $0xF7A, s2;
	p2 =	seq.s32 @!p0 s5, $0x0  }
0x1f: {  	s9 =	smul.u32 $0xF7A, s1;
	s8 =	simm.s32 @!p0 $0x1BF5;
	p2 =	por !p2, p0  }
0x20: {  	[sflag:s8] =	ssyncset.s32 @!p0 $0xFFFFF086;
	s6 =	sadd.s32 @!p0 s3, s7;
	s7 =	simm.s32 @!p0 $0x108  }
0x21: {  	s3 =	sadd.s32 s3, s9;
	s6 =	sadd.s32 @!p0 $0x88, s6;
	s7 =	simm.s32 @p2 $0x1082  }
0x22: {  	[simem:s7], [sflag:s8] =	dma.local @!p0 [hbm:s6], $0xF7A  }
0x23: {  	s9 =	sor.u32 $0xD0000000, s2;
	s6 =	simm.s32 $0x108;
	_ =	swait.ge @!p0 [sflag:s8], $0x0  }
0x24: {  	s3 =	sadd.s32 $0x88, s3;
	s6 =	simm.s32 @!p1 $0x1082;
	[sflag:s4] =	ssyncset.s32 $0xFFFFF086  }
0x25: {  	[simem:s6], [sflag:s4] =	dma.local [hbm:s3], $0xF7A  }
0x26: {  	[smem:$0x3F99] =	sst s1;
	(tag) =	ssettag s2;
	_ =	strace s9  }
0x27: {  	s1 =	sld [smem:$0x3FA9]  }
0x28: {  	s2 =	sld [smem:$0x3FAA]  }
0x29: {  	s4 =	sld [smem:$0x3FAC]  }
0x2a: {  	p0 =	seq.s32 s5, $0x0;
	s5 =	sld [smem:$0x3FAD]  }
0x2b: {  	s6 =	sld [smem:$0x3FAE]  }
0x2c: {  	s7 =	sld [smem:$0x3FAF]  }
0x2d: {  	s3 =	simm.s32 $0x108;
	s8 =	sld [smem:$0x3FB0]  }
0x2e: {  	s3 =	simm.s32 @!p0 $0x1082;
	s9 =	sld [smem:$0x3FB1]  }
0x2f: {  	lr =	sadd.s32 s0, s3;
	s0 =	sld [smem:$0x3FA8]  }
0x30: {  	s3 =	sld [smem:$0x3FAB]  }
0x31: {  	[smem:$0x3FB4] =	sst s10  }
0x32: {  	s10 =	sld [smem:$0x3FB2];
	_ =	sdelay $0x3  }
0x33: {  	p0 =	seq.s32 s10, $0x1;
	s10 =	sld [smem:$0x3FB4];
	_ =	sdelay $0x3  }
0x34: {  	[smem:$0x3FB4] =	sst s10  }
0x35: {  	s10 =	sld [smem:$0x3FB3];
	_ =	sdelay $0x3  }
0x36: {  	p1 =	seq.s32 s10, $0x1;
	s10 =	sld [smem:$0x3FB4];
	_ =	sdelay $0x3  }
0x37: {  	[smem:$0x3FB4] =	sst s10  }
0x38: {  	s10 =	sld [smem:$0x3FB5]  }
0x39: {  	_ = 	snop;
	(pc) =	sbr.ind lr, $3  }
0x3a: {  	_ = 	snop  }
0x3b: {  	_ = 	snop  }
0x3c: {  	p2 =	seq.s32 s10, $0x1;
	s10 =	sld [smem:$0x3FB4]  }
0x3d: {  	_ =	shalt  }
0x3e: {  	_ =	shalt  }
0x3f: {  	_ =	shalt  }
0x40: {  	_ =	shalt  }
0x41: {  	_ =	shalt  }
0x42: {  	_ =	shalt  }
0x43: {  	_ =	shalt  }
0x44: {  	_ =	shalt  }
0x45: {  	_ =	shalt  }
0x46: {  	_ =	shalt  }
0x47: {  	_ =	shalt  }
0x48: {  	_ =	shalt  }
0x49: {  	_ =	shalt  }
0x4a: {  	_ =	shalt  }
0x4b: {  	_ =	shalt  }
0x4c: {  	_ =	shalt  }
0x4d: {  	_ =	shalt  }
0x4e: {  	_ =	shalt  }
0x4f: {  	_ =	shalt  }
0x50: {  	_ =	shalt  }
0x51: {  	_ =	shalt  }
0x52: {  	_ =	shalt  }
0x53: {  	_ =	shalt  }
0x54: {  	_ =	shalt  }
0x55: {  	_ =	shalt  }
0x56: {  	_ =	shalt  }
0x57: {  	_ =	shalt  }
0x58: {  	_ =	shalt  }
0x59: {  	_ =	shalt  }
0x5a: {  	_ =	shalt  }
0x5b: {  	_ =	shalt  }
0x5c: {  	_ =	shalt  }
0x5d: {  	_ =	shalt  }
0x5e: {  	_ =	shalt  }
0x5f: {  	_ =	shalt  }
0x60: {  	_ =	shalt  }
0x61: {  	_ =	shalt  }
0x62: {  	_ =	shalt  }
0x63: {  	_ =	shalt  }
0x64: {  	_ =	shalt  }
0x65: {  	_ =	shalt  }
0x66: {  	_ =	shalt  }
0x67: {  	_ =	shalt  }
0x68: {  	_ =	shalt  }
0x69: {  	_ =	shalt  }
0x6a: {  	_ =	shalt  }
0x6b: {  	_ =	shalt  }
0x6c: {  	_ =	shalt  }
0x6d: {  	_ =	shalt  }
0x6e: {  	_ =	shalt  }
0x6f: {  	_ =	shalt  }
0x70: {  	_ =	shalt  }
0x71: {  	_ =	shalt  }
0x72: {  	_ =	shalt  }
0x73: {  	_ =	shalt  }
0x74: {  	_ =	shalt  }
0x75: {  	_ =	shalt  }
0x76: {  	_ =	shalt  }
0x77: {  	_ =	shalt  }
0x78: {  	_ =	shalt  }
0x79: {  	_ =	shalt  }
0x7a: {  	_ =	shalt  }
0x7b: {  	_ =	shalt  }
0x7c: {  	_ =	shalt  }
0x7d: {  	_ =	shalt  }
0x7e: {  	_ =	shalt  }
0x7f: {  	_ =	shalt  }
0x80: {  	_ =	shalt  }
0x81: {  	_ =	shalt  }
0x82: {  	_ =	shalt  }
0x83: {  	_ =	shalt  }
0x84: {  	_ =	shalt  }
0x85: {  	_ =	shalt  }
0x86: {  	_ =	shalt  }
0x87: {  	_ =	shalt  }
.Lfunc_end0:
.L_simem_size_0:
called_computation_lowered:
.L_overlay_start_0:
0x88: {  	s2 =	sld [smem:$0x3FD9]  }
0x89: {  	s3 =	sld [smem:$0x3FFE];
	_ =	sdelay $0x1  }
0x8a: {  	s1 =	srdreg.scid  }
0x8b: {  	s0 =	sand.u32 $0x1, s1  }
0x8c: {  	s17 =	sshll.u32 s0, $0xA;
	s2 =	sadd.s32 s3, s2  }
0x8d: {  	s2 =	sadd.s32 s2, s17  }
0x8e: {  	[smem:$0x3FC0] =	sst s2  }
0x8f: {  	_ = 	snop  }
0x90: {  	s2 =	sld [smem:$0x3FC9]  }
0x91: {  	s18 =	sld [smem:$0x3FD0];
	(tm) =	ssettm $0x1  }
0x92: {  	s4 =	sld [smem:$0x3FFB];
	_ =	sdelay $0x3  }
0x93: {  	_ =	strace s4  }
0x94: {  	s4 =	sld [smem:$0x3FFC];
	_ =	sdelay $0x3  }
0x95: {  	_ =	strace s4  }
0x96: {  	s4 =	sld [smem:$0x3FFD];
	_ =	sdelay $0x3  }
0x97: {  	_ =	strace s4  }
0x98: {  	_ =	strace $0x8FFFFFFF  }
0x99: {  	s19 =	sld [smem:$0x3FDB];
	_ =	sdelay $0x1  }
0x9a: {  	s5 =	simm.s32 $_scs_section_size  }
0x9b: {  	s6 =	simm.s32 $_size__tile_overlayer_lowered;
	s7 =	simm.s32 $_tile_overlayer_lowered  }
0x9c: {  	s22 =	simm.s32 $0x1BFF;
	s21 =	sshll.u32 s7, $0x1;
	s4 =	sadd.s32 s5, s19  }
0x9d: {  	s8 =	simm.s32 $0x0;
	s20 =	sshll.u32 s6, $0x1;
	s6 =	sadd.s32 s21, s4  }
0x9e: {  	[timem:s8], [sflag:s22] =	dma.local [hbm:s6], s20  }
0x9f: {  	_ =	swait.ge [sflag:s22], s20  }
0xa0: {  	s5 =	ssub.s32 $0x0, s20;
	[sflag:s22] =	ssyncset.done $0x0  }
0xa1: {  	[sflag:s22] =	ssyncadd.s32 s5;
	_ =	sdelay $0x1  }
0xa2: {  	s23 =	simm.s32 $0x1B8B  }
0xa3: {  	_ =	swait.ge [sflag:s23], $0x1  }
0xa4: {  	[sflag:s23] =	ssyncset.done $0x0  }
0xa5: {  	s25 =	simm.s32 $0x1B8E;
	s24 =	sld [smem:$0x3FFE];
	[sflag:s23] =	ssyncadd.s32 $0xFFFFFFFF  }
0xa6: {  	s26 =	simm.s32 $execute0_lowered;
	[smem:$0x3FD2] =	sst s25  }
0xa7: {  	s6 =	sshll.u32 s26, $0x1;
	_ =	strace $0x80000046;
	[dreg:$0x1] =	wrdreg $0xFFFFFFFF  }
0xa8: {  	s28 =	simm.s32 $_size_execute0_lowered;
	s4 =	sadd.s32 s4, s6;
	[dreg:$0x0] =	wrdreg $0x0  }
0xa9: {  	s6 =	sshll.u32 s28, $0x1;
	[dreg:$0x2] =	wrdreg s4  }
0xaa: {  	[dreg:$0x3] =	wrdreg s6  }
0xab: {  	[dreg:$0x4] =	wrdreg $0xC0  }
0xac: {  	_ =	task [dreg:s8], $0x5FFFF  }
0xad: {  	[dreg:$0x1] =	wrdreg $0xFFFFFFFF  }
0xae: {  	[dreg:$0x0] =	wrdreg $0x60  }
0xaf: {  	[dreg:$0x2] =	wrdreg s24  }
0xb0: {  	[dreg:$0x3] =	wrdreg s2  }
0xb1: {  	[dreg:$0x4] =	wrdreg s18  }
0xb2: {  	[dreg:$0x5] =	wrdreg $0x10A000  }
0xb3: {  	[dreg:$0x6] =	wrdreg $0x9  }
0xb4: {  	_ =	task.clear_ibuf [dreg:s8], $0x7FFFF;
	_ =	strace $0x90000046  }
0xb5: {  	s29 =	simm.s32 $0x9;
	_ =	strace $0x80000048  }
0xb6: {  	_ =	swait.ge [sflag:s29], $0x1  }
0xb7: {  	[sflag:s29] =	ssyncadd.s32 $0xFFFFFFFF  }
0xb8: {  	_ =	strace $0x90000048  }
0xb9: {  	_ =	sfence  }
0xba: {  	s30 =	sld [smem:$0x0];
	_ =	sdelay $0x2  }
0xbb: {  	s31 =	sshll.u32 s1, $0xD;
	s1 =	sshrl.u32 s1, $0x2  }
0xbc: {  	s3 =	sand.u32 $0x4000, s31;
	s1 =	sadd.s32 s1, s30  }
0xbd: {  	s0 =	sor.u32 s3, s0;
	s1 =	sshll.u32 s1, $0x11  }
0xbe: {  	s0 =	sor.u32 s1, s0  }
0xbf: {  	s0 =	sadd.s32 $0x8F2B, s0  }
0xc0: {  	[sflag:s0] =	ssyncadd.remote.s32 $0x1  }
0xc1: {  	_ =	sfence.sel $0xFFFF  }
0xc2: {  	[dreg:$0x0] =	wrdreg $0xFFFFFFFF;
	(pc) =	sbr.abs _section_cstart, $3  }
0xc3: {  	[dreg:$0x1] =	wrdreg $0xFFFFFFFF  }
0xc4: {  	_ =	task.clear_ibuf [dreg:s8], $0x2FFFF;
	_ =	strace $0x9FFFFFFF  }
0xc5: {  	(tm) =	ssettm $0x7FFFFFFF  }
tec
execute0_lowered:
.L_overlay_start_1:
0x0: {  	(tag) =	ssettag $0x1  }
0x1: {  	s3 =	rddreg [dreg:$0x0]  }
0x2: {  	s4 =	rddreg [dreg:$0x1]  }
0x3: {  	s5 =	rddreg [dreg:$0x2]  }
0x4: {  	s2 =	rddreg [dreg:$0x3]  }
0x5: {  	s0 =	rddreg [dreg:$0x4];
	s6 =	srdreg.scid  }
0x6: {  	s1 =	simm.s32 $0x0;
	s7 =	stileid.u32;
	s6 =	sand.u32 $0x1, s6  }
0x7: {  	s15 =	simm.s32 $0x3;
	s12 =	simm.s32 $0x80;
	s9 =	ssub.s32 $0x2, s6  }
0x8: {  	s10 =	simm.s32 $0x200;
	s16 =	simm.s32 $0x100;
	s30 =	sshrl.u32 s9, $0x1  }
0x9: {  	s17 =	simm.s32 $0x180;
	s18 =	sadd.s32 $0x1000, s3;
	s3 =	ssub.s32 s9, s30  }
0xa: {  	p1 =	por $0x0, $0x0;
	[smem:$0x7FF] =	sst s1;
	s3 =	smax.u32 s3, $0x1  }
0xb: {  	s8 =	sshll.u32 s7, $0x1;
	p0 =	sne.s32 s7, $0x0;
	s22 =	sadd.s32 $0xFFFFFFFF, s3  }
0xc: {  	s7 =	simm.s32 $0x1;
	_ =	strace $0x80000047;
	p2 =	sne.s32 s22, $0x0  }
.Ltmp0:
0xd: {  	s6 =	sor.u32 s6, s8;
	s20 =	simm.s32 @!p0 $0x0;
	(pc) =	sbr.rel @!p2 .LBB2_3-.Ltmp0, $4  }
0xe: {  	s19 =	simm.s32 @!p0 $0x3;
	s8 =	sshll.u32 s6, $0x6;
	s31 =	sshll.u32 s6, $0xD  }
0xf: {  	s6 =	simm.s32 $0x8200;
	s14 =	sadd.s32 s4, s8;
	s5 =	sadd.s32 s5, s31  }
0x10: {  	s8 =	simm.s32 $0x4200;
	s4 =	simm.s32 $0xC200;
	s13 =	sadd.s32 $0x800, s5  }
0x11: {  	s11 =	sadd.s32 $0x1000, s5;
	s9 =	sadd.s32 $0x1800, s5;
	s3 =	simm.s32 $0x2  }
0x12: {  	s21 =	simm.s32 @!p0 $0x10200  }
0x13: {  	[tilespmem:s21], [sflag:$0x3] =	stream.linear.gather @!p0 [hbm4b:s18+s20], $0x800, $0x38;
	[tilespmem:$0x10A80] =	vst v63  }
0x14: {  	_ =	swait.ge @!p0 [sflag:s19], $0x800  }
0x15: {  	[sflag:s19] =	ssyncset.done @!p0 $0x0  }
0x16: {  	[sflag:s19] =	ssyncadd.s32 @!p0 $0xFFFFF800  }
0x17: {  	[spmem:s2] =	stream.linear.scatter @!p0 [tilespmem:s21], [sflag:$0x3], $0x800, $0x38;
	[tilespmem:$0x10A80] =	vst v63  }
0x18: {  	_ =	swait.ge @!p0 [sflag:s19], $0x800  }
0x19: {  	[sflag:s19] =	ssyncset.done @!p0 $0x0  }
0x1a: {  	[sflag:s19] =	ssyncadd.s32 @!p0 $0xFFFFF800  }
0x1b: {  	[tilespmem:s1], [sflag:$0x3] =	stream.linear.gather [hbm4b:s14+s1], $0x200, $0x38;
	[tilespmem:$0x10A80] =	vst v63  }
0x1c: {  	_ =	swait.ge [sflag:s15], $0x200  }
0x1d: {  	[sflag:s15] =	ssyncset.done $0x0  }
0x1e: {  	[sflag:s15] =	ssyncadd.s32 $0xFFFFFE00  }
0x1f: {  	[bflag:$0x0] =	sbarrier.arrive $0xFFFF  }
0x20: {  	[tilespmem:s10], [sflag:$0x1] =	stream.indirect.gather [spmem:s2], $0x80, s1, s12, $0xb8;
	[tilespmem:$0x10A80] =	vst v63  }
0x21: {  	_ = 	snop  }
0x22: {  	[tilespmem:s8], [sflag:$0x1] =	stream.indirect.gather [spmem:s2], $0x80, s12, s12, $0xb8;
	[tilespmem:$0x10A80] =	vst v63  }
0x23: {  	_ = 	snop  }
0x24: {  	[tilespmem:s6], [sflag:$0x1] =	stream.indirect.gather [spmem:s2], $0x80, s16, s12, $0xb8;
	[tilespmem:$0x10A80] =	vst v63  }
0x25: {  	_ = 	snop  }
0x26: {  	[tilespmem:s4], [sflag:$0x1] =	stream.indirect.gather [spmem:s2], $0x80, s17, s12, $0xb8;
	[tilespmem:$0x10A80] =	vst v63  }
0x27: {  	_ =	swait.ge [sflag:s7], $0x4000  }
0x28: {  	[sflag:s7] =	ssyncset.done $0x0  }
0x29: {  	[sflag:s7] =	ssyncadd.s32 $0xFFFFC000  }
0x2a: {  	[hbm4b:s5+s1] =	stream.linear.scatter [tilespmem:s10], [sflag:$0x2], $0x4000, $0x38;
	[tilespmem:$0x10A80] =	vst v63  }
0x2b: {  	_ =	swait.ge [sflag:s7], $0x4000  }
0x2c: {  	[sflag:s7] =	ssyncset.done $0x0  }
0x2d: {  	[sflag:s7] =	ssyncadd.s32 $0xFFFFC000  }
0x2e: {  	[hbm4b:s13+s1] =	stream.linear.scatter [tilespmem:s8], [sflag:$0x2], $0x4000, $0x38;
	[tilespmem:$0x10A80] =	vst v63  }
0x2f: {  	_ =	swait.ge [sflag:s7], $0x4000  }
0x30: {  	[sflag:s7] =	ssyncset.done $0x0  }
0x31: {  	[sflag:s7] =	ssyncadd.s32 $0xFFFFC000  }
0x32: {  	[hbm4b:s11+s1] =	stream.linear.scatter [tilespmem:s6], [sflag:$0x2], $0x4000, $0x38;
	[tilespmem:$0x10A80] =	vst v63  }
0x33: {  	_ =	swait.ge [sflag:s7], $0x4000  }
0x34: {  	[sflag:s7] =	ssyncset.done $0x0  }
0x35: {  	[sflag:s7] =	ssyncadd.s32 $0xFFFFC000  }
0x36: {  	[hbm4b:s9+s1] =	stream.linear.scatter [tilespmem:s4], [sflag:$0x2], $0x4000, $0x38;
	[tilespmem:$0x10A80] =	vst v63  }
0x37: {  	_ =	swait.ge [sflag:s3], $0x4000  }
0x38: {  	[sflag:s3] =	ssyncset.done $0x0  }
0x39: {  	[sflag:s3] =	ssyncadd.s32 $0xFFFFC000  }
0x3a: {  	_ =	swait.ge [sflag:s3], $0x4000  }
0x3b: {  	s22 =	sadd.s32 $0xFFFFFFFF, s22;
	[sflag:s3] =	ssyncset.done $0x0  }
0x3c: {  	p2 =	sne.s32 s22, $0x0;
	[sflag:s3] =	ssyncadd.s32 $0xFFFFC000  }
.Ltmp1:
0x3d: {  	_ =	swait.ge [sflag:s3], $0x4000;
	(pc) =	sbr.rel @!p2 .LBB2_3-.Ltmp1, $4  }
0x3e: {  	[sflag:s3] =	ssyncset.done $0x0  }
0x3f: {  	[sflag:s3] =	ssyncadd.s32 $0xFFFFC000  }
0x40: {  	_ =	swait.ge [sflag:s3], $0x4000  }
0x41: {  	p1 =	por $0x1, $0x1;
	[sflag:s3] =	ssyncset.done $0x0  }
.LBB2_2:
0x42: {  	s23 =	simm.s32 @!p0 $0x0;
	[sflag:s3] =	ssyncadd.s32 $0xFFFFC000  }
0x43: {  	[tilespmem:s21], [sflag:$0x3] =	stream.linear.gather @!p0 [hbm4b:s18+s20], $0x800, $0x38;
	[tilespmem:$0x10A80] =	vst v63  }
0x44: {  	s22 =	sadd.s32 $0xFFFFFFFF, s22;
	s20 =	smov.u32 s23;
	_ =	swait.ge @!p0 [sflag:s19], $0x800  }
0x45: {  	p2 =	sne.s32 s22, $0x0;
	[sflag:s19] =	ssyncset.done @!p0 $0x0  }
0x46: {  	[sflag:s19] =	ssyncadd.s32 @!p0 $0xFFFFF800  }
0x47: {  	[spmem:s2] =	stream.linear.scatter @!p0 [tilespmem:s21], [sflag:$0x3], $0x800, $0x38;
	[tilespmem:$0x10A80] =	vst v63  }
0x48: {  	_ =	swait.ge @!p0 [sflag:s19], $0x800  }
0x49: {  	[sflag:s19] =	ssyncset.done @!p0 $0x0  }
0x4a: {  	[sflag:s19] =	ssyncadd.s32 @!p0 $0xFFFFF800  }
0x4b: {  	[tilespmem:s1], [sflag:$0x3] =	stream.linear.gather [hbm4b:s14+s1], $0x200, $0x38;
	[tilespmem:$0x10A80] =	vst v63  }
0x4c: {  	_ =	swait.ge [sflag:s15], $0x200  }
0x4d: {  	[sflag:s15] =	ssyncset.done $0x0  }
0x4e: {  	[sflag:s15] =	ssyncadd.s32 $0xFFFFFE00  }
0x4f: {  	[bflag:$0x0] =	sbarrier.arrive $0xFFFF  }
0x50: {  	[tilespmem:s10], [sflag:$0x1] =	stream.indirect.gather [spmem:s2], $0x80, s1, s12, $0xb8;
	[tilespmem:$0x10A80] =	vst v63  }
0x51: {  	_ = 	snop  }
0x52: {  	[tilespmem:s8], [sflag:$0x1] =	stream.indirect.gather [spmem:s2], $0x80, s12, s12, $0xb8;
	[tilespmem:$0x10A80] =	vst v63  }
0x53: {  	_ = 	snop  }
0x54: {  	[tilespmem:s6], [sflag:$0x1] =	stream.indirect.gather [spmem:s2], $0x80, s16, s12, $0xb8;
	[tilespmem:$0x10A80] =	vst v63  }
0x55: {  	_ = 	snop  }
0x56: {  	[tilespmem:s4], [sflag:$0x1] =	stream.indirect.gather [spmem:s2], $0x80, s17, s12, $0xb8;
	[tilespmem:$0x10A80] =	vst v63  }
0x57: {  	_ =	swait.ge [sflag:s7], $0x4000  }
0x58: {  	[sflag:s7] =	ssyncset.done $0x0  }
0x59: {  	[sflag:s7] =	ssyncadd.s32 $0xFFFFC000  }
0x5a: {  	[hbm4b:s5+s1] =	stream.linear.scatter [tilespmem:s10], [sflag:$0x2], $0x4000, $0x38;
	[tilespmem:$0x10A80] =	vst v63  }
0x5b: {  	_ =	swait.ge [sflag:s7], $0x4000  }
0x5c: {  	[sflag:s7] =	ssyncset.done $0x0  }
0x5d: {  	[sflag:s7] =	ssyncadd.s32 $0xFFFFC000  }
0x5e: {  	[hbm4b:s13+s1] =	stream.linear.scatter [tilespmem:s8], [sflag:$0x2], $0x4000, $0x38;
	[tilespmem:$0x10A80] =	vst v63  }
0x5f: {  	_ =	swait.ge [sflag:s7], $0x4000  }
0x60: {  	[sflag:s7] =	ssyncset.done $0x0  }
0x61: {  	[sflag:s7] =	ssyncadd.s32 $0xFFFFC000  }
0x62: {  	[hbm4b:s11+s1] =	stream.linear.scatter [tilespmem:s6], [sflag:$0x2], $0x4000, $0x38;
	[tilespmem:$0x10A80] =	vst v63  }
0x63: {  	_ =	swait.ge [sflag:s7], $0x4000  }
0x64: {  	[sflag:s7] =	ssyncset.done $0x0  }
0x65: {  	[sflag:s7] =	ssyncadd.s32 $0xFFFFC000  }
0x66: {  	[hbm4b:s9+s1] =	stream.linear.scatter [tilespmem:s4], [sflag:$0x2], $0x4000, $0x38;
	[tilespmem:$0x10A80] =	vst v63  }
0x67: {  	_ =	swait.ge [sflag:s3], $0x4000  }
0x68: {  	[sflag:s3] =	ssyncset.done $0x0  }
0x69: {  	[sflag:s3] =	ssyncadd.s32 $0xFFFFC000  }
0x6a: {  	_ =	swait.ge [sflag:s3], $0x4000  }
0x6b: {  	[sflag:s3] =	ssyncset.done $0x0  }
0x6c: {  	[sflag:s3] =	ssyncadd.s32 $0xFFFFC000  }
.Ltmp2:
0x6d: {  	_ =	swait.ge [sflag:s3], $0x4000;
	(pc) =	sbr.rel @p2 .LBB2_2-.Ltmp2, $4  }
0x6e: {  	[sflag:s3] =	ssyncset.done $0x0  }
0x6f: {  	[sflag:s3] =	ssyncadd.s32 $0xFFFFC000  }
0x70: {  	_ =	swait.ge [sflag:s3], $0x4000  }
0x71: {  	[sflag:s3] =	ssyncset.done $0x0  }
.LBB2_3:
0x72: {  	s21 =	simm.s32 @!p0 $0x10200;
	[sflag:s3] =	ssyncadd.s32 @p1 $0xFFFFC000  }
0x73: {  	[tilespmem:s21], [sflag:$0x3] =	stream.linear.gather @!p0 [hbm4b:s18+s20], $0x800, $0x38;
	[tilespmem:$0x10A80] =	vst v63  }
0x74: {  	_ =	swait.ge @!p0 [sflag:s19], $0x800  }
0x75: {  	[sflag:s19] =	ssyncset.done @!p0 $0x0  }
0x76: {  	[sflag:s19] =	ssyncadd.s32 @!p0 $0xFFFFF800  }
0x77: {  	[spmem:s2] =	stream.linear.scatter @!p0 [tilespmem:s21], [sflag:$0x3], $0x800, $0x38;
	[tilespmem:$0x10A80] =	vst v63  }
0x78: {  	_ =	swait.ge @!p0 [sflag:s19], $0x800  }
0x79: {  	[sflag:s19] =	ssyncset.done @!p0 $0x0  }
0x7a: {  	[sflag:s19] =	ssyncadd.s32 @!p0 $0xFFFFF800  }
0x7b: {  	[tilespmem:s1], [sflag:$0x3] =	stream.linear.gather [hbm4b:s14+s1], $0x200, $0x38;
	[tilespmem:$0x10A80] =	vst v63  }
0x7c: {  	_ =	swait.ge [sflag:s15], $0x200  }
0x7d: {  	[sflag:s15] =	ssyncset.done $0x0  }
0x7e: {  	[sflag:s15] =	ssyncadd.s32 $0xFFFFFE00  }
0x7f: {  	[bflag:$0x0] =	sbarrier.arrive $0xFFFF  }
0x80: {  	[tilespmem:s10], [sflag:$0x1] =	stream.indirect.gather [spmem:s2], $0x80, s1, s12, $0xb8;
	[tilespmem:$0x10A80] =	vst v63  }
0x81: {  	_ = 	snop  }
0x82: {  	[tilespmem:s8], [sflag:$0x1] =	stream.indirect.gather [spmem:s2], $0x80, s12, s12, $0xb8;
	[tilespmem:$0x10A80] =	vst v63  }
0x83: {  	_ = 	snop  }
0x84: {  	[tilespmem:s6], [sflag:$0x1] =	stream.indirect.gather [spmem:s2], $0x80, s16, s12, $0xb8;
	[tilespmem:$0x10A80] =	vst v63  }
0x85: {  	_ = 	snop  }
0x86: {  	[tilespmem:s4], [sflag:$0x1] =	stream.indirect.gather [spmem:s2], $0x80, s17, s12, $0xb8;
	[tilespmem:$0x10A80] =	vst v63  }
0x87: {  	_ =	swait.ge [sflag:s7], $0x4000  }
0x88: {  	[sflag:s7] =	ssyncset.done $0x0  }
0x89: {  	[sflag:s7] =	ssyncadd.s32 $0xFFFFC000  }
0x8a: {  	[hbm4b:s5+s1] =	stream.linear.scatter [tilespmem:s10], [sflag:$0x2], $0x4000, $0x38;
	[tilespmem:$0x10A80] =	vst v63  }
0x8b: {  	_ =	swait.ge [sflag:s7], $0x4000  }
0x8c: {  	[sflag:s7] =	ssyncset.done $0x0  }
0x8d: {  	[sflag:s7] =	ssyncadd.s32 $0xFFFFC000  }
0x8e: {  	[hbm4b:s13+s1] =	stream.linear.scatter [tilespmem:s8], [sflag:$0x2], $0x4000, $0x38;
	[tilespmem:$0x10A80] =	vst v63  }
0x8f: {  	_ =	swait.ge [sflag:s7], $0x4000  }
0x90: {  	[sflag:s7] =	ssyncset.done $0x0  }
0x91: {  	[sflag:s7] =	ssyncadd.s32 $0xFFFFC000  }
0x92: {  	[hbm4b:s11+s1] =	stream.linear.scatter [tilespmem:s6], [sflag:$0x2], $0x4000, $0x38;
	[tilespmem:$0x10A80] =	vst v63  }
0x93: {  	_ =	swait.ge [sflag:s7], $0x4000  }
0x94: {  	[sflag:s7] =	ssyncset.done $0x0  }
0x95: {  	[sflag:s7] =	ssyncadd.s32 $0xFFFFC000  }
0x96: {  	[hbm4b:s9+s1] =	stream.linear.scatter [tilespmem:s4], [sflag:$0x2], $0x4000, $0x38;
	[tilespmem:$0x10A80] =	vst v63  }
0x97: {  	_ =	swait.ge [sflag:s3], $0x4000  }
0x98: {  	[sflag:s3] =	ssyncset.done $0x0  }
0x99: {  	[sflag:s3] =	ssyncadd.s32 $0xFFFFC000  }
0x9a: {  	_ =	swait.ge [sflag:s3], $0x4000  }
0x9b: {  	[sflag:s3] =	ssyncset.done $0x0  }
0x9c: {  	[sflag:s3] =	ssyncadd.s32 $0xFFFFC000  }
0x9d: {  	_ =	swait.ge [sflag:s3], $0x4000  }
0x9e: {  	[sflag:s3] =	ssyncset.done $0x0  }
0x9f: {  	[sflag:s3] =	ssyncadd.s32 $0xFFFFC000  }
0xa0: {  	_ =	swait.ge [sflag:s3], $0x4000  }
0xa1: {  	[sflag:s3] =	ssyncset.done $0x0  }
0xa2: {  	[sflag:s3] =	ssyncadd.s32 $0xFFFFC000  }
0xa3: {  	_ =	sfence.sel $0x180000  }
0xa4: {  	[bflag:$0x0] =	sbarrier.arrive $0xFFFF  }
0xa5: {  	_ =	strace $0x90000047  }
0xa6: {  	s0 =	sadd.s32 @!p0 $0x100000, s0;
	[bflag:$0x2] =	sbarrier.arrive $0xFFFF  }
0xa7: {  	[sflag:s0] =	ssyncadd.tile.s32 @!p0 $0x1;
	_ =	shalt  }
.Lfunc_end2:
_tile_overlayer_lowered:
.L_overlay_start_2:
0xa8: {  	(tag) =	ssettag $0x2  }
0xa9: {  	s0 =	rddreg [dreg:$0x0];
	s2 =	stileid.u32  }
0xaa: {  	s1 =	rddreg [dreg:$0x1];
	p0 =	sne.s32 s2, $0x0  }
0xab: {  	s3 =	rddreg [dreg:$0x2];
	[bflag:$0x3] =	sbarrier.arrive $0xFFFF;
	s2 =	simm.s32 @!p0 $0x1C03  }
0xac: {  	[timem:s3], [sflag:s2] =	dma.local @!p0 [hbm:s0], s1  }
0xad: {  	s0 =	simm.s32 @!p0 $0x3  }
0xae: {  	_ =	swait.ge @!p0 [sflag:s0], s1  }
0xaf: {  	s1 =	ssub.s32 @!p0 $0x0, s1;
	[sflag:s0] =	ssyncset.done @!p0 $0x0  }
0xb0: {  	[sflag:s0] =	ssyncadd.s32 @!p0 s1  }
0xb1: {  	[bflag:$0x3] =	sbarrier.arrive $0xFFFF  }
0xb2: {  	_ =	shalt  }

</sc_bundles>
